<compile_context>
chip_gen: v7x
topology: tpu7x:2x2x1
jax: 0.10.2.dev20260603
libtpu: 0.0.44.dev20260713+nightly
codegen_flags: <defaults>
</compile_context>

<pallas_src>
import functools

import jax
import jax.numpy as jnp
from jax import lax
from jax.experimental import pallas as pl
from jax.experimental.pallas import tpu as pltpu
from jax.experimental.pallas import tpu_sc as plsc

P = 384
N = 36864
HW = 147456
HALF = HW // 2
CH = 9216
N_WORKERS = 32
TASKS_PER_WORKER = (P * 2) // N_WORKERS
L = 16
BV = 36


def _unpool_body(sidx_hbm, sval_hbm, out_hbm, out_buf, idx_buf, x_buf):
    wid = lax.axis_index("s") * 2 + lax.axis_index("c")

    def task_body(t, carry):
        tid = wid * TASKS_PER_WORKER + t
        p = tid // 2
        h = tid % 2
        base = p * HW + h * HALF

        def zero_body(i, c):
            out_buf[pl.ds(i * L, L)] = jnp.zeros((L,), jnp.float32)
            return c

        lax.fori_loop(0, HALF // L, zero_body, 0)

        def chunk_body(c, carry2):
            start = p * N + c * CH
            is_last = start + CH >= P * N

            @pl.when(is_last)
            def _():
                pltpu.sync_copy(sidx_hbm.at[pl.ds(start, CH)],
                                idx_buf.at[pl.ds(0, CH)])
                idx_buf[pl.ds(CH, L)] = jnp.full((L,), -1, jnp.int32)

            @pl.when(jnp.logical_not(is_last))
            def _():
                pltpu.sync_copy(sidx_hbm.at[pl.ds(start, CH + L)], idx_buf)

            cmin = jnp.min(idx_buf[pl.ds(0, L)])
            cmax = jnp.max(idx_buf[pl.ds(CH - L, L)])
            overlap = (cmax >= base) & (cmin < base + HALF)

            @pl.when(overlap)
            def _():
                pltpu.sync_copy(sval_hbm.at[pl.ds(start, CH)], x_buf)

                def blk_body(bi, c4):
                    bmin = jnp.min(idx_buf[pl.ds(bi * BV * L, L)])
                    bmax = jnp.max(idx_buf[pl.ds((bi + 1) * BV * L - L, L)])
                    bover = (bmax >= base) & (bmin < base + HALF)

                    @pl.when(bover)
                    def _():
                        def vec_body(i, c3):
                            kv = idx_buf[pl.ds(i * L, L)]
                            nv = idx_buf[pl.ds(i * L + 1, L)]
                            xv = x_buf[pl.ds(i * L, L)]
                            local = kv - base
                            m = (local >= 0) & (local < HALF) & (kv != nv)
                            safe = jnp.where(m, local, 0)
                            plsc.store_scatter(out_buf, [safe], xv, mask=m)
                            return c3

                        lax.fori_loop(bi * BV, (bi + 1) * BV, vec_body, 0)

                    return c4

                lax.fori_loop(0, CH // L // BV, blk_body, 0)

            return carry2

        lax.fori_loop(0, N // CH, chunk_body, 0)
        pltpu.sync_copy(out_buf, out_hbm.at[p, pl.ds(h * HALF, HALF)])
        return carry

    lax.fori_loop(0, TASKS_PER_WORKER, task_body, 0)


_unpool = functools.partial(
    pl.kernel,
    out_type=jax.ShapeDtypeStruct((P, HW), jnp.float32),
    mesh=plsc.VectorSubcoreMesh(core_axis_name="c", subcore_axis_name="s"),
    compiler_params=pltpu.CompilerParams(needs_layout_passes=False),
    scratch_types=[
        pltpu.VMEM((HALF,), jnp.float32),
        pltpu.VMEM((CH + L,), jnp.int32),
        pltpu.VMEM((CH,), jnp.float32),
    ],
)(_unpool_body)


def kernel(x, indices):
    b, c, h, w = x.shape
    plane = jnp.arange(b * c, dtype=jnp.int32)[:, None] * HW
    gidx = (indices.reshape(b * c, h * w) + plane).reshape(-1)
    s_idx, s_val = lax.sort((gidx, x.reshape(-1)), dimension=0,
                            is_stable=False, num_keys=1)
    out = _unpool(s_idx, s_val)
    return out.reshape(b, c, 2 * h, 2 * w)

# --- scband reference (transcript-rebuilt; emitter-appended) ---
"""Pipeline reference for scband-unpooling-operation-4045859193284 (READ-ONLY COPY).

The authoritative reference and input builder live on the scoring server;
editing this copy changes nothing except your own understanding.
"""

import jax, jax.numpy as jnp
import numpy as np

B, C, H_IN, W_IN = 4, 96, 192, 192
H_OUT, W_OUT = 384, 384


def setup_inputs(seed: int = 0) -> dict:
    key = jax.random.key(seed)
    k1, k2 = jax.random.split(key)
    x = jax.random.normal(k1, (B, C, H_IN, W_IN), dtype=jnp.float32)
    # MaxUnpool2d indices: flat index into the per-(b,c) output plane of size H_OUT*W_OUT
    indices = jax.random.randint(k2, (B, C, H_IN, W_IN), 0, H_OUT * W_OUT, dtype=jnp.int32)
    return {"x": x, "indices": indices}


def reference(x, indices):
    # Faithful jax translation of nn.MaxUnpool2d(kernel_size=2, stride=2, padding=0):
    # scatter each pooled value into the flat output plane at its stored index.
    b, c, h, w = x.shape
    hw_out = H_OUT * W_OUT
    x_flat = x.reshape(b, c, h * w)
    idx_flat = indices.reshape(b, c, h * w)
    b_idx = jnp.arange(b)[:, None, None]
    c_idx = jnp.arange(c)[None, :, None]
    out = jnp.zeros((b, c, hw_out), dtype=x.dtype).at[b_idx, c_idx, idx_flat].set(x_flat)
    # unpool output is exactly (H_OUT, W_OUT) == (output_height, output_width), so no ZeroPad2d layer
    return out.reshape(b, c, H_OUT, W_OUT)

if __name__ == "__main__":
    import jax
    _d = setup_inputs()
    print(jax.jit(kernel)(*tuple(_d.values())))

</pallas_src>

<mosaic_0001>
#map = affine_map<(d0, d1) -> (0)>
#map1 = affine_map<(d0, d1) -> (0, 0)>
module attributes {stable_mosaic.version = 14 : i64} {
  func.func @_unpool_body(%arg0: i32, %arg1: i32, %arg2: memref<14155776xi32, #tpu.memory_space<hbm>>, %arg3: memref<14155776xf32, #tpu.memory_space<hbm>>, %arg4: memref<384x147456xf32, #tpu.memory_space<hbm>>, %arg5: memref<73728xf32, #tpu.memory_space<vmem>>, %arg6: memref<9232xi32, #tpu.memory_space<vmem>>, %arg7: memref<9216xf32, #tpu.memory_space<vmem>>) attributes {dimension_semantics = [#tpu.dimension_semantics<core_parallel>, #tpu.dimension_semantics<subcore_parallel>], iteration_bounds = array<i64: 2, 16>, scalar_prefetch = 0 : i64, scratch_operands = 3 : i64, tpu.core_type = #tpu.core_type<sc_vector_subcore>, window_params = [{transform_indices = #map}, {transform_indices = #map}, {transform_indices = #map1}]} {
    %mul3A = arith.constant 2 : i32
    %mul3A_0 = arith.muli %arg1, %mul3A : i32
    %add3A = arith.addi %mul3A_0, %arg0 : i32
    %scan3A = arith.constant 0 : i32
    %scan3A_1 = arith.constant 0 : i32
    %scan3A_2 = arith.constant 24 : i32
    %scan3A_3 = arith.addi %scan3A_1, %scan3A_2 : i32
    %scan3A_4 = arith.constant 1 : i32
    scf.for %scan3A_6 = %scan3A_1 to %scan3A_3 step %scan3A_4  : i32 {
      %mul3A_7 = arith.constant 24 : i32
      %mul3A_8 = arith.muli %add3A, %mul3A_7 : i32
      %add3A_9 = arith.addi %mul3A_8, %scan3A_6 : i32
      %jit3A = arith.constant 2 : i32
      %div3A = arith.divsi %add3A_9, %jit3A : i32
      %sign3A = arith.constant 0 : i32
      %sign3A_10 = arith.cmpi sgt, %add3A_9, %sign3A : i32
      %sign3A_11 = arith.extui %sign3A_10 : i1 to i32
      %sign3A_12 = arith.constant 0 : i32
      %sign3A_13 = arith.cmpi slt, %add3A_9, %sign3A_12 : i32
      %sign3A_14 = arith.extui %sign3A_13 : i1 to i32
      %sign3A_15 = arith.subi %sign3A_11, %sign3A_14 : i32
      %sign3A_16 = arith.constant 0 : i32
      %sign3A_17 = arith.cmpi sgt, %jit3A, %sign3A_16 : i32
      %sign3A_18 = arith.extui %sign3A_17 : i1 to i32
      %sign3A_19 = arith.constant 0 : i32
      %sign3A_20 = arith.cmpi slt, %jit3A, %sign3A_19 : i32
      %sign3A_21 = arith.extui %sign3A_20 : i1 to i32
      %sign3A_22 = arith.subi %sign3A_18, %sign3A_21 : i32
      %ne3A = arith.cmpi ne, %sign3A_15, %sign3A_22 : i32
      %rem3A = arith.remsi %add3A_9, %jit3A : i32
      %ne3A_23 = arith.constant 0 : i32
      %ne3A_24 = arith.cmpi ne, %rem3A, %ne3A_23 : i32
      %and3A = arith.andi %ne3A, %ne3A_24 : i1
      %sub3A = arith.constant 1 : i32
      %sub3A_25 = arith.subi %div3A, %sub3A : i32
      %select_n3A = arith.select %and3A, %sub3A_25, %div3A : i32
      %jit3A_26 = arith.constant 2 : i32
      %eq3A = arith.constant 0 : i32
      %eq3A_27 = arith.cmpi eq, %jit3A_26, %eq3A : i32
      %jit3A_28 = arith.constant 1 : i32
      %select_n3A_29 = arith.select %eq3A_27, %jit3A_28, %jit3A_26 : i32
      %rem3A_30 = arith.remsi %add3A_9, %select_n3A_29 : i32
      %ne3A_31 = arith.constant 0 : i32
      %ne3A_32 = arith.cmpi ne, %rem3A_30, %ne3A_31 : i32
      %lt3A = arith.constant 0 : i32
      %lt3A_33 = arith.cmpi slt, %rem3A_30, %lt3A : i32
      %lt3A_34 = arith.constant 0 : i32
      %lt3A_35 = arith.cmpi slt, %select_n3A_29, %lt3A_34 : i32
      %ne3A_36 = arith.xori %lt3A_33, %lt3A_35 : i1
      %and3A_37 = arith.andi %ne3A_36, %ne3A_32 : i1
      %add3A_38 = arith.addi %rem3A_30, %select_n3A_29 : i32
      %select_n3A_39 = arith.select %and3A_37, %add3A_38, %rem3A_30 : i32
      %mul3A_40 = arith.constant 147456 : i32
      %mul3A_41 = arith.muli %select_n3A, %mul3A_40 : i32
      %mul3A_42 = arith.constant 73728 : i32
      %mul3A_43 = arith.muli %select_n3A_39, %mul3A_42 : i32
      %add3A_44 = arith.addi %mul3A_41, %mul3A_43 : i32
      %scan3A_45 = arith.constant 0 : i32
      %scan3A_46 = arith.constant 0 : i32
      %scan3A_47 = arith.constant 4608 : i32
      %scan3A_48 = arith.addi %scan3A_46, %scan3A_47 : i32
      %scan3A_49 = arith.constant 1 : i32
      scf.for %scan3A_59 = %scan3A_46 to %scan3A_48 step %scan3A_49  : i32 {
        %broadcast_in_dim3A = arith.constant 0.000000e+00 : f32
        %broadcast_in_dim3A_60 = vector.broadcast %broadcast_in_dim3A : f32 to vector<16xf32>
        %mul3A_61 = arith.constant 16 : i32
        %mul3A_62 = arith.muli %scan3A_59, %mul3A_61 : i32
        %swap3A = arith.index_cast %mul3A_62 : i32 to index
        %swap3A_63 = tpu.vector_load %arg5[%swap3A] {strides = array<i32>} : memref<73728xf32, #tpu.memory_space<vmem>>, vector<16xf32>,
        tpu.vector_store %arg5[%swap3A], %broadcast_in_dim3A_60 {strides = array<i32>} : memref<73728xf32, #tpu.memory_space<vmem>>, vector<16xf32>,
      }
      %scan3A_50 = arith.constant 4608 : i32
      %scan3A_51 = arith.constant 0 : i32
      %scan3A_52 = arith.constant 0 : i32
      %scan3A_53 = arith.constant 4 : i32
      %scan3A_54 = arith.addi %scan3A_52, %scan3A_53 : i32
      %scan3A_55 = arith.constant 1 : i32
      scf.for %scan3A_59 = %scan3A_52 to %scan3A_54 step %scan3A_55  : i32 {
        %mul3A_60 = arith.constant 36864 : i32
        %mul3A_61 = arith.muli %select_n3A, %mul3A_60 : i32
        %mul3A_62 = arith.constant 9216 : i32
        %mul3A_63 = arith.muli %scan3A_59, %mul3A_62 : i32
        %add3A_64 = arith.addi %mul3A_61, %mul3A_63 : i32
        %add3A_65 = arith.constant 9216 : i32
        %add3A_66 = arith.addi %add3A_64, %add3A_65 : i32
        %ge3A = arith.constant 14155776 : i32
        %ge3A_67 = arith.cmpi sge, %add3A_66, %ge3A : i32
        %convert_element_type3A = arith.extui %ge3A_67 : i1 to i32
        %cond3A = arith.constant 0 : i32
        %cond3A_68 = arith.cmpi ne, %convert_element_type3A, %cond3A : i32
        scf.if %cond3A_68 {
          "tpu.region"() ({
            %run_scoped3A = tpu.sem_alloc : memref<!tpu.dma_semaphore, #tpu.memory_space<semaphore_mem>>
            %dma_start3A = arith.constant 0 : i32
            %dma_start3A_100 = tpu.memref_slice %arg6[%dma_start3A] : memref<9232xi32, #tpu.memory_space<vmem>> -> memref<9216xi32, #tpu.memory_space<vmem>>
            %dma_start3A_101 = tpu.memref_slice %arg2[%add3A_64] : memref<14155776xi32, #tpu.memory_space<hbm>> -> memref<9216xi32, #tpu.memory_space<hbm>>
            %dma_start3A_102 = arith.constant 0 : i32
            %dma_start3A_103 = tpu.memref_slice %arg6[%dma_start3A_102] : memref<9232xi32, #tpu.memory_space<vmem>> -> memref<9216xi32, #tpu.memory_space<vmem>>
            %dma_start3A_104 = tpu.memref_slice %arg2[%add3A_64] : memref<14155776xi32, #tpu.memory_space<hbm>> -> memref<9216xi32, #tpu.memory_space<hbm>>
            tpu.enqueue_dma source(%dma_start3A_104 : memref<9216xi32, #tpu.memory_space<hbm>>) target(%dma_start3A_103 : memref<9216xi32, #tpu.memory_space<vmem>>) target_semaphore(%run_scoped3A : memref<!tpu.dma_semaphore, #tpu.memory_space<semaphore_mem>>)
            %dma_wait3A = arith.constant 0 : i32
            %dma_wait3A_105 = tpu.memref_slice %arg6[%dma_wait3A] : memref<9232xi32, #tpu.memory_space<vmem>> -> memref<9216xi32, #tpu.memory_space<vmem>>
            %dma_wait3A_106 = tpu.memref_slice %arg2[%add3A_64] : memref<14155776xi32, #tpu.memory_space<hbm>> -> memref<9216xi32, #tpu.memory_space<hbm>>
            %dma_wait3A_107 = arith.constant 0 : i32
            %dma_wait3A_108 = tpu.memref_slice %arg6[%dma_wait3A_107] : memref<9232xi32, #tpu.memory_space<vmem>> -> memref<9216xi32, #tpu.memory_space<vmem>>
            %dma_wait3A_109 = tpu.memref_slice %arg2[%add3A_64] : memref<14155776xi32, #tpu.memory_space<hbm>> -> memref<9216xi32, #tpu.memory_space<hbm>>
            tpu.wait_dma2 semaphore(%run_scoped3A : memref<!tpu.dma_semaphore, #tpu.memory_space<semaphore_mem>>) src(%dma_wait3A_109 : memref<9216xi32, #tpu.memory_space<hbm>>) dst(%dma_wait3A_108 : memref<9216xi32, #tpu.memory_space<vmem>>)
            tpu.yield
          }) : () -> ()
          %broadcast_in_dim3A = arith.constant -1 : i32
          %broadcast_in_dim3A_98 = vector.broadcast %broadcast_in_dim3A : i32 to vector<16xi32>
          %swap3A = arith.constant 9216 : index
          %swap3A_99 = tpu.vector_load %arg6[%swap3A] {strides = array<i32>} : memref<9232xi32, #tpu.memory_space<vmem>>, vector<16xi32>,
          tpu.vector_store %arg6[%swap3A], %broadcast_in_dim3A_98 {strides = array<i32>} : memref<9232xi32, #tpu.memory_space<vmem>>, vector<16xi32>,
        } else {
        }
        %not3A = arith.constant true
        %not3A_69 = arith.xori %ge3A_67, %not3A : i1
        %convert_element_type3A_70 = arith.extui %not3A_69 : i1 to i32
        %cond3A_71 = arith.constant 0 : i32
        %cond3A_72 = arith.cmpi ne, %convert_element_type3A_70, %cond3A_71 : i32
        scf.if %cond3A_72 {
          "tpu.region"() ({
            %run_scoped3A = tpu.sem_alloc : memref<!tpu.dma_semaphore, #tpu.memory_space<semaphore_mem>>
            %dma_start3A = tpu.memref_slice %arg2[%add3A_64] : memref<14155776xi32, #tpu.memory_space<hbm>> -> memref<9232xi32, #tpu.memory_space<hbm>>
            %dma_start3A_98 = tpu.memref_slice %arg2[%add3A_64] : memref<14155776xi32, #tpu.memory_space<hbm>> -> memref<9232xi32, #tpu.memory_space<hbm>>
            tpu.enqueue_dma source(%dma_start3A_98 : memref<9232xi32, #tpu.memory_space<hbm>>) target(%arg6 : memref<9232xi32, #tpu.memory_space<vmem>>) target_semaphore(%run_scoped3A : memref<!tpu.dma_semaphore, #tpu.memory_space<semaphore_mem>>)
            %dma_wait3A = tpu.memref_slice %arg2[%add3A_64] : memref<14155776xi32, #tpu.memory_space<hbm>> -> memref<9232xi32, #tpu.memory_space<hbm>>
            %dma_wait3A_99 = tpu.memref_slice %arg2[%add3A_64] : memref<14155776xi32, #tpu.memory_space<hbm>> -> memref<9232xi32, #tpu.memory_space<hbm>>
            tpu.wait_dma2 semaphore(%run_scoped3A : memref<!tpu.dma_semaphore, #tpu.memory_space<semaphore_mem>>) src(%dma_wait3A_99 : memref<9232xi32, #tpu.memory_space<hbm>>) dst(%arg6 : memref<9232xi32, #tpu.memory_space<vmem>>)
            tpu.yield
          }) : () -> ()
        } else {
        }
        %get3A = arith.constant 0 : index
        %get3A_73 = tpu.vector_load %arg6[%get3A] {strides = array<i32>} : memref<9232xi32, #tpu.memory_space<vmem>>, vector<16xi32>,
        %reduce_min3A = arith.constant true
        %reduce_min3A_74 = vector.broadcast %reduce_min3A : i1 to vector<16xi1>
        %reduce_min3A_75 = arith.constant -2147483648 : i32
        %reduce_min3A_76 = vector.broadcast %reduce_min3A_75 : i32 to vector<16xi32>
        %reduce_min3A_77 = arith.xori %get3A_73, %reduce_min3A_76 : vector<16xi32>
        %reduce_min3A_78 = tpu.scan <min>, %reduce_min3A_77 masked %reduce_min3A_74 : vector<16xi32>, vector<16xi1> -> vector<16xi32>
        %reduce_min3A_79 = arith.xori %reduce_min3A_78, %reduce_min3A_76 : vector<16xi32>
        %reduce_min3A_80 = vector.extract %reduce_min3A_79[15] : i32 from vector<16xi32>
        %get3A_81 = arith.constant 9200 : index
        %get3A_82 = tpu.vector_load %arg6[%get3A_81] {strides = array<i32>} : memref<9232xi32, #tpu.memory_space<vmem>>, vector<16xi32>,
        %reduce_max3A = arith.constant true
        %reduce_max3A_83 = vector.broadcast %reduce_max3A : i1 to vector<16xi1>
        %reduce_max3A_84 = arith.constant -2147483648 : i32
        %reduce_max3A_85 = vector.broadcast %reduce_max3A_84 : i32 to vector<16xi32>
        %reduce_max3A_86 = arith.xori %get3A_82, %reduce_max3A_85 : vector<16xi32>
        %reduce_max3A_87 = tpu.scan <max>, %reduce_max3A_86 masked %reduce_max3A_83 : vector<16xi32>, vector<16xi1> -> vector<16xi32>
        %reduce_max3A_88 = arith.xori %reduce_max3A_87, %reduce_max3A_85 : vector<16xi32>
        %reduce_max3A_89 = vector.extract %reduce_max3A_88[15] : i32 from vector<16xi32>
        %ge3A_90 = arith.cmpi sge, %reduce_max3A_89, %add3A_44 : i32
        %add3A_91 = arith.constant 73728 : i32
        %add3A_92 = arith.addi %add3A_44, %add3A_91 : i32
        %lt3A_93 = arith.cmpi slt, %reduce_min3A_80, %add3A_92 : i32
        %and3A_94 = arith.andi %ge3A_90, %lt3A_93 : i1
        %convert_element_type3A_95 = arith.extui %and3A_94 : i1 to i32
        %cond3A_96 = arith.constant 0 : i32
        %cond3A_97 = arith.cmpi ne, %convert_element_type3A_95, %cond3A_96 : i32
        scf.if %cond3A_97 {
          "tpu.region"() ({
            %run_scoped3A = tpu.sem_alloc : memref<!tpu.dma_semaphore, #tpu.memory_space<semaphore_mem>>
            %dma_start3A = tpu.memref_slice %arg3[%add3A_64] : memref<14155776xf32, #tpu.memory_space<hbm>> -> memref<9216xf32, #tpu.memory_space<hbm>>
            %dma_start3A_104 = tpu.memref_slice %arg3[%add3A_64] : memref<14155776xf32, #tpu.memory_space<hbm>> -> memref<9216xf32, #tpu.memory_space<hbm>>
            tpu.enqueue_dma source(%dma_start3A_104 : memref<9216xf32, #tpu.memory_space<hbm>>) target(%arg7 : memref<9216xf32, #tpu.memory_space<vmem>>) target_semaphore(%run_scoped3A : memref<!tpu.dma_semaphore, #tpu.memory_space<semaphore_mem>>)
            %dma_wait3A = tpu.memref_slice %arg3[%add3A_64] : memref<14155776xf32, #tpu.memory_space<hbm>> -> memref<9216xf32, #tpu.memory_space<hbm>>
            %dma_wait3A_105 = tpu.memref_slice %arg3[%add3A_64] : memref<14155776xf32, #tpu.memory_space<hbm>> -> memref<9216xf32, #tpu.memory_space<hbm>>
            tpu.wait_dma2 semaphore(%run_scoped3A : memref<!tpu.dma_semaphore, #tpu.memory_space<semaphore_mem>>) src(%dma_wait3A_105 : memref<9216xf32, #tpu.memory_space<hbm>>) dst(%arg7 : memref<9216xf32, #tpu.memory_space<vmem>>)
            tpu.yield
          }) : () -> ()
          %scan3A_98 = arith.constant 0 : i32
          %scan3A_99 = arith.constant 0 : i32
          %scan3A_100 = arith.constant 16 : i32
          %scan3A_101 = arith.addi %scan3A_99, %scan3A_100 : i32
          %scan3A_102 = arith.constant 1 : i32
          scf.for %scan3A_104 = %scan3A_99 to %scan3A_101 step %scan3A_102  : i32 {
            %mul3A_105 = arith.constant 36 : i32
            %mul3A_106 = arith.muli %scan3A_104, %mul3A_105 : i32
            %mul3A_107 = arith.constant 16 : i32
            %mul3A_108 = arith.muli %mul3A_106, %mul3A_107 : i32
            %get3A_109 = arith.index_cast %mul3A_108 : i32 to index
            %get3A_110 = tpu.vector_load %arg6[%get3A_109] {strides = array<i32>} : memref<9232xi32, #tpu.memory_space<vmem>>, vector<16xi32>,
            %reduce_min3A_111 = arith.constant true
            %reduce_min3A_112 = vector.broadcast %reduce_min3A_111 : i1 to vector<16xi1>
            %reduce_min3A_113 = arith.constant -2147483648 : i32
            %reduce_min3A_114 = vector.broadcast %reduce_min3A_113 : i32 to vector<16xi32>
            %reduce_min3A_115 = arith.xori %get3A_110, %reduce_min3A_114 : vector<16xi32>
            %reduce_min3A_116 = tpu.scan <min>, %reduce_min3A_115 masked %reduce_min3A_112 : vector<16xi32>, vector<16xi1> -> vector<16xi32>
            %reduce_min3A_117 = arith.xori %reduce_min3A_116, %reduce_min3A_114 : vector<16xi32>
            %reduce_min3A_118 = vector.extract %reduce_min3A_117[15] : i32 from vector<16xi32>
            %add3A_119 = arith.constant 1 : i32
            %add3A_120 = arith.addi %scan3A_104, %add3A_119 : i32
            %mul3A_121 = arith.constant 36 : i32
            %mul3A_122 = arith.muli %add3A_120, %mul3A_121 : i32
            %mul3A_123 = arith.constant 16 : i32
            %mul3A_124 = arith.muli %mul3A_122, %mul3A_123 : i32
            %sub3A_125 = arith.constant 16 : i32
            %sub3A_126 = arith.subi %mul3A_124, %sub3A_125 : i32
            %get3A_127 = arith.index_cast %sub3A_126 : i32 to index
            %get3A_128 = tpu.vector_load %arg6[%get3A_127] {strides = array<i32>} : memref<9232xi32, #tpu.memory_space<vmem>>, vector<16xi32>,
            %reduce_max3A_129 = arith.constant true
            %reduce_max3A_130 = vector.broadcast %reduce_max3A_129 : i1 to vector<16xi1>
            %reduce_max3A_131 = arith.constant -2147483648 : i32
            %reduce_max3A_132 = vector.broadcast %reduce_max3A_131 : i32 to vector<16xi32>
            %reduce_max3A_133 = arith.xori %get3A_128, %reduce_max3A_132 : vector<16xi32>
            %reduce_max3A_134 = tpu.scan <max>, %reduce_max3A_133 masked %reduce_max3A_130 : vector<16xi32>, vector<16xi1> -> vector<16xi32>
            %reduce_max3A_135 = arith.xori %reduce_max3A_134, %reduce_max3A_132 : vector<16xi32>
            %reduce_max3A_136 = vector.extract %reduce_max3A_135[15] : i32 from vector<16xi32>
            %ge3A_137 = arith.cmpi sge, %reduce_max3A_136, %add3A_44 : i32
            %add3A_138 = arith.constant 73728 : i32
            %add3A_139 = arith.addi %add3A_44, %add3A_138 : i32
            %lt3A_140 = arith.cmpi slt, %reduce_min3A_118, %add3A_139 : i32
            %and3A_141 = arith.andi %ge3A_137, %lt3A_140 : i1
            %convert_element_type3A_142 = arith.extui %and3A_141 : i1 to i32
            %cond3A_143 = arith.constant 0 : i32
            %cond3A_144 = arith.cmpi ne, %convert_element_type3A_142, %cond3A_143 : i32
            scf.if %cond3A_144 {
              %mul3A_145 = arith.constant 36 : i32
              %mul3A_146 = arith.muli %scan3A_104, %mul3A_145 : i32
              %add3A_147 = arith.constant 1 : i32
              %add3A_148 = arith.addi %scan3A_104, %add3A_147 : i32
              %mul3A_149 = arith.constant 36 : i32
              %mul3A_150 = arith.muli %add3A_148, %mul3A_149 : i32
              %while3A = arith.constant 0 : i32
              %while3A_151 = arith.subi %mul3A_150, %mul3A_146 : i32
              %while3A_152 = arith.addi %mul3A_146, %while3A_151 : i32
              %while3A_153 = arith.constant 1 : i32
              %while3A_154 = arith.divsi %while3A_151, %while3A_153 : i32
              %while3A_155 = arith.muli %while3A_154, %while3A_153 : i32
              %while3A_156 = arith.addi %mul3A_146, %while3A_155 : i32
              %while3A_157 = arith.constant 1 : i32
              scf.for %while3A_159 = %mul3A_146 to %while3A_156 step %while3A_157  : i32 {
                %mul3A_160 = arith.constant 16 : i32
                %mul3A_161 = arith.muli %while3A_159, %mul3A_160 : i32
                %get3A_162 = arith.index_cast %mul3A_161 : i32 to index
                %get3A_163 = tpu.vector_load %arg6[%get3A_162] {strides = array<i32>} : memref<9232xi32, #tpu.memory_space<vmem>>, vector<16xi32>,
                %mul3A_164 = arith.constant 16 : i32
                %mul3A_165 = arith.muli %while3A_159, %mul3A_164 : i32
                %add3A_166 = arith.constant 1 : i32
                %add3A_167 = arith.addi %mul3A_165, %add3A_166 : i32
                %get3A_168 = arith.index_cast %add3A_167 : i32 to index
                %get3A_169 = tpu.vector_load %arg6[%get3A_168] {strides = array<i32>} : memref<9232xi32, #tpu.memory_space<vmem>>, vector<16xi32>,
                %mul3A_170 = arith.constant 16 : i32
                %mul3A_171 = arith.muli %while3A_159, %mul3A_170 : i32
                %get3A_172 = arith.index_cast %mul3A_171 : i32 to index
                %get3A_173 = tpu.vector_load %arg7[%get3A_172] {strides = array<i32>} : memref<9216xf32, #tpu.memory_space<vmem>>, vector<16xf32>,
                %sub3A_174 = vector.broadcast %add3A_44 : i32 to vector<16xi32>
                %sub3A_175 = arith.subi %get3A_163, %sub3A_174 : vector<16xi32>
                %ge3A_176 = arith.constant 0 : i32
                %ge3A_177 = vector.broadcast %ge3A_176 : i32 to vector<16xi32>
                %ge3A_178 = arith.cmpi sge, %sub3A_175, %ge3A_177 : vector<16xi32>
                %lt3A_179 = arith.constant 73728 : i32
                %lt3A_180 = vector.broadcast %lt3A_179 : i32 to vector<16xi32>
                %lt3A_181 = arith.cmpi slt, %sub3A_175, %lt3A_180 : vector<16xi32>
                %and3A_182 = arith.andi %ge3A_178, %lt3A_181 : vector<16xi1>
                %ne3A_183 = arith.cmpi ne, %get3A_163, %get3A_169 : vector<16xi32>
                %and3A_184 = arith.andi %and3A_182, %ne3A_183 : vector<16xi1>
                %jit3A_185 = arith.constant 0 : i32
                %broadcast_in_dim3A = vector.broadcast %jit3A_185 : i32 to vector<16xi32>
                %select_n3A_186 = arith.select %and3A_184, %sub3A_175, %broadcast_in_dim3A : vector<16xi1>, vector<16xi32>
                tpu.vector_store_idx %arg5[%select_n3A_186], %get3A_173 masked %and3A_184 : memref<73728xf32, #tpu.memory_space<vmem>>[vector<16xi32>], vector<16xf32>, vector<16xi1>
              }
              %while3A_158 = arith.constant 1 : i32
              scf.for %while3A_159 = %while3A_156 to %while3A_152 step %while3A_158  : i32 {
                %mul3A_160 = arith.constant 16 : i32
                %mul3A_161 = arith.muli %while3A_159, %mul3A_160 : i32
                %get3A_162 = arith.index_cast %mul3A_161 : i32 to index
                %get3A_163 = tpu.vector_load %arg6[%get3A_162] {strides = array<i32>} : memref<9232xi32, #tpu.memory_space<vmem>>, vector<16xi32>,
                %mul3A_164 = arith.constant 16 : i32
                %mul3A_165 = arith.muli %while3A_159, %mul3A_164 : i32
                %add3A_166 = arith.constant 1 : i32
                %add3A_167 = arith.addi %mul3A_165, %add3A_166 : i32
                %get3A_168 = arith.index_cast %add3A_167 : i32 to index
                %get3A_169 = tpu.vector_load %arg6[%get3A_168] {strides = array<i32>} : memref<9232xi32, #tpu.memory_space<vmem>>, vector<16xi32>,
                %mul3A_170 = arith.constant 16 : i32
                %mul3A_171 = arith.muli %while3A_159, %mul3A_170 : i32
                %get3A_172 = arith.index_cast %mul3A_171 : i32 to index
                %get3A_173 = tpu.vector_load %arg7[%get3A_172] {strides = array<i32>} : memref<9216xf32, #tpu.memory_space<vmem>>, vector<16xf32>,
                %sub3A_174 = vector.broadcast %add3A_44 : i32 to vector<16xi32>
                %sub3A_175 = arith.subi %get3A_163, %sub3A_174 : vector<16xi32>
                %ge3A_176 = arith.constant 0 : i32
                %ge3A_177 = vector.broadcast %ge3A_176 : i32 to vector<16xi32>
                %ge3A_178 = arith.cmpi sge, %sub3A_175, %ge3A_177 : vector<16xi32>
                %lt3A_179 = arith.constant 73728 : i32
                %lt3A_180 = vector.broadcast %lt3A_179 : i32 to vector<16xi32>
                %lt3A_181 = arith.cmpi slt, %sub3A_175, %lt3A_180 : vector<16xi32>
                %and3A_182 = arith.andi %ge3A_178, %lt3A_181 : vector<16xi1>
                %ne3A_183 = arith.cmpi ne, %get3A_163, %get3A_169 : vector<16xi32>
                %and3A_184 = arith.andi %and3A_182, %ne3A_183 : vector<16xi1>
                %jit3A_185 = arith.constant 0 : i32
                %broadcast_in_dim3A = vector.broadcast %jit3A_185 : i32 to vector<16xi32>
                %select_n3A_186 = arith.select %and3A_184, %sub3A_175, %broadcast_in_dim3A : vector<16xi1>, vector<16xi32>
                tpu.vector_store_idx %arg5[%select_n3A_186], %get3A_173 masked %and3A_184 : memref<73728xf32, #tpu.memory_space<vmem>>[vector<16xi32>], vector<16xf32>, vector<16xi1>
              }
            } else {
            }
          }
          %scan3A_103 = arith.constant 16 : i32
        } else {
        }
      }
      %scan3A_56 = arith.constant 4 : i32
      %mul3A_57 = arith.constant 73728 : i32
      %mul3A_58 = arith.muli %select_n3A_39, %mul3A_57 : i32
      "tpu.region"() ({
        %run_scoped3A = tpu.sem_alloc : memref<!tpu.dma_semaphore, #tpu.memory_space<semaphore_mem>>
        %dma_start3A = tpu.memref_slice %arg4[%select_n3A, %mul3A_58] : memref<384x147456xf32, #tpu.memory_space<hbm>> -> memref<1x73728xf32, #tpu.memory_space<hbm>>
        %dma_start3A_59 = tpu.memref_squeeze %dma_start3A : memref<1x73728xf32, #tpu.memory_space<hbm>> -> memref<73728xf32, #tpu.memory_space<hbm>>
        %dma_start3A_60 = tpu.memref_slice %arg4[%select_n3A, %mul3A_58] : memref<384x147456xf32, #tpu.memory_space<hbm>> -> memref<1x73728xf32, #tpu.memory_space<hbm>>
        %dma_start3A_61 = tpu.memref_squeeze %dma_start3A_60 : memref<1x73728xf32, #tpu.memory_space<hbm>> -> memref<73728xf32, #tpu.memory_space<hbm>>
        tpu.enqueue_dma source(%arg5 : memref<73728xf32, #tpu.memory_space<vmem>>) target(%dma_start3A_61 : memref<73728xf32, #tpu.memory_space<hbm>>) target_semaphore(%run_scoped3A : memref<!tpu.dma_semaphore, #tpu.memory_space<semaphore_mem>>)
        %dma_wait3A = tpu.memref_slice %arg4[%select_n3A, %mul3A_58] : memref<384x147456xf32, #tpu.memory_space<hbm>> -> memref<1x73728xf32, #tpu.memory_space<hbm>>
        %dma_wait3A_62 = tpu.memref_squeeze %dma_wait3A : memref<1x73728xf32, #tpu.memory_space<hbm>> -> memref<73728xf32, #tpu.memory_space<hbm>>
        %dma_wait3A_63 = tpu.memref_slice %arg4[%select_n3A, %mul3A_58] : memref<384x147456xf32, #tpu.memory_space<hbm>> -> memref<1x73728xf32, #tpu.memory_space<hbm>>
        %dma_wait3A_64 = tpu.memref_squeeze %dma_wait3A_63 : memref<1x73728xf32, #tpu.memory_space<hbm>> -> memref<73728xf32, #tpu.memory_space<hbm>>
        tpu.wait_dma2 semaphore(%run_scoped3A : memref<!tpu.dma_semaphore, #tpu.memory_space<semaphore_mem>>) src(%arg5 : memref<73728xf32, #tpu.memory_space<vmem>>) dst(%dma_wait3A_64 : memref<73728xf32, #tpu.memory_space<hbm>>)
        tpu.yield
      }) : () -> ()
    }
    %scan3A_5 = arith.constant 24 : i32
    return
  }
}

</mosaic_0001>

<sc_bundles>
// kernel: kernel.3.cloned.1.call-start
scs
__scs_entry_jumppad:
0x0: {  	(pc) =	sbr.rel $0x88, $3  }
0x1: {  	(tag) =	ssettag $0x0;
	lr =	simm.s32 $0x1  }
0x2: {  	[smem:$0x3F9F] =	sst lr;
	_ =	strace $0xD0000000  }
0x3: {  	_ = 	snop  }
0x4: {  	_ = 	snop  }
0x5: {  	_ = 	snop  }
0x6: {  	_ = 	snop  }
0x7: {  	_ = 	snop  }
__scs_overlays_trampoline_lowered:
0x8: {  	[smem:$0x3FAE] =	sst s0  }
0x9: {  	[smem:$0x3FAF] =	sst s1  }
0xa: {  	[smem:$0x3FB0] =	sst s2  }
0xb: {  	[smem:$0x3FB1] =	sst s3  }
0xc: {  	[smem:$0x3FB2] =	sst s4  }
0xd: {  	[smem:$0x3FB3] =	sst s5  }
0xe: {  	[smem:$0x3FB4] =	sst s6  }
0xf: {  	[smem:$0x3FB5] =	sst s7  }
0x10: {  	[smem:$0x3FB6] =	sst s8  }
0x11: {  	[smem:$0x3FB7] =	sst s9;
	s0 =	simm.s32 @!p0 $0x0  }
0x12: {  	s1 =	sld [smem:$0x3F9D];
	s0 =	simm.s32 @p0 $0x1  }
0x13: {  	[smem:$0x3FB8] =	sst s0;
	s0 =	simm.s32 @!p1 $0x0  }
0x14: {  	s2 =	sld [smem:$0x3F9C];
	s0 =	simm.s32 @p1 $0x1  }
0x15: {  	[smem:$0x3FB9] =	sst s0;
	s0 =	simm.s32 @!p2 $0x0  }
0x16: {  	s3 =	sld [smem:$0x3FDB];
	s0 =	simm.s32 @p2 $0x1  }
0x17: {  	s4 =	simm.s32 $0x1BF5;
	[smem:$0x3FBB] =	sst s0  }
0x18: {  	s0 =	sld [smem:$0x3F9E];
	_ =	swait.ge [sflag:s4], $0x0  }
0x19: {  	s7 =	sld [smem:$0x3F9F]  }
0x1a: {  	s8 =	sadd.s32 $0xFFFFE003, lr  }
0x1b: {  	s9 =	sadd.s32 $0xFFFFFEF7, lr;
	s5 =	simm.s32 $0xFFFFFFFF;
	p2 =	slt.u32 s8, $0xFFFFF086  }
0x1c: {  	p1 =	slt.u32 s9, $0xF7A;
	s5 =	simm.s32 @!p2 $0x0  }
0x1d: {  	s5 =	simm.s32 @p1 $0x1;
	p0 =	seq.s32 s7, s2  }
0x1e: {  	s7 =	smul.u32 @!p0 $0xF7A, s2;
	p2 =	seq.s32 @!p0 s5, $0x0  }
0x1f: {  	s9 =	smul.u32 $0xF7A, s1;
	s8 =	simm.s32 @!p0 $0x1BF5;
	p2 =	por !p2, p0  }
0x20: {  	[sflag:s8] =	ssyncset.s32 @!p0 $0xFFFFF086;
	s6 =	sadd.s32 @!p0 s3, s7;
	s7 =	simm.s32 @!p0 $0x108  }
0x21: {  	s3 =	sadd.s32 s3, s9;
	s6 =	sadd.s32 @!p0 $0x88, s6;
	s7 =	simm.s32 @p2 $0x1082  }
0x22: {  	[simem:s7], [sflag:s8] =	dma.local @!p0 [hbm:s6], $0xF7A  }
0x23: {  	s9 =	sor.u32 $0xD0000000, s2;
	s6 =	simm.s32 $0x108;
	_ =	swait.ge @!p0 [sflag:s8], $0x0  }
0x24: {  	s3 =	sadd.s32 $0x88, s3;
	s6 =	simm.s32 @!p1 $0x1082;
	[sflag:s4] =	ssyncset.s32 $0xFFFFF086  }
0x25: {  	[simem:s6], [sflag:s4] =	dma.local [hbm:s3], $0xF7A  }
0x26: {  	[smem:$0x3F9F] =	sst s1;
	(tag) =	ssettag s2;
	_ =	strace s9  }
0x27: {  	s1 =	sld [smem:$0x3FAF]  }
0x28: {  	s2 =	sld [smem:$0x3FB0]  }
0x29: {  	s4 =	sld [smem:$0x3FB2]  }
0x2a: {  	p0 =	seq.s32 s5, $0x0;
	s5 =	sld [smem:$0x3FB3]  }
0x2b: {  	s6 =	sld [smem:$0x3FB4]  }
0x2c: {  	s7 =	sld [smem:$0x3FB5]  }
0x2d: {  	s3 =	simm.s32 $0x108;
	s8 =	sld [smem:$0x3FB6]  }
0x2e: {  	s3 =	simm.s32 @!p0 $0x1082;
	s9 =	sld [smem:$0x3FB7]  }
0x2f: {  	lr =	sadd.s32 s0, s3;
	s0 =	sld [smem:$0x3FAE]  }
0x30: {  	s3 =	sld [smem:$0x3FB1]  }
0x31: {  	[smem:$0x3FBA] =	sst s10  }
0x32: {  	s10 =	sld [smem:$0x3FB8];
	_ =	sdelay $0x3  }
0x33: {  	p0 =	seq.s32 s10, $0x1;
	s10 =	sld [smem:$0x3FBA];
	_ =	sdelay $0x3  }
0x34: {  	[smem:$0x3FBA] =	sst s10  }
0x35: {  	s10 =	sld [smem:$0x3FB9];
	_ =	sdelay $0x3  }
0x36: {  	p1 =	seq.s32 s10, $0x1;
	s10 =	sld [smem:$0x3FBA];
	_ =	sdelay $0x3  }
0x37: {  	[smem:$0x3FBA] =	sst s10  }
0x38: {  	s10 =	sld [smem:$0x3FBB]  }
0x39: {  	_ = 	snop;
	(pc) =	sbr.ind lr, $3  }
0x3a: {  	_ = 	snop  }
0x3b: {  	_ = 	snop  }
0x3c: {  	p2 =	seq.s32 s10, $0x1;
	s10 =	sld [smem:$0x3FBA]  }
0x3d: {  	_ =	shalt  }
0x3e: {  	_ =	shalt  }
0x3f: {  	_ =	shalt  }
0x40: {  	_ =	shalt  }
0x41: {  	_ =	shalt  }
0x42: {  	_ =	shalt  }
0x43: {  	_ =	shalt  }
0x44: {  	_ =	shalt  }
0x45: {  	_ =	shalt  }
0x46: {  	_ =	shalt  }
0x47: {  	_ =	shalt  }
0x48: {  	_ =	shalt  }
0x49: {  	_ =	shalt  }
0x4a: {  	_ =	shalt  }
0x4b: {  	_ =	shalt  }
0x4c: {  	_ =	shalt  }
0x4d: {  	_ =	shalt  }
0x4e: {  	_ =	shalt  }
0x4f: {  	_ =	shalt  }
0x50: {  	_ =	shalt  }
0x51: {  	_ =	shalt  }
0x52: {  	_ =	shalt  }
0x53: {  	_ =	shalt  }
0x54: {  	_ =	shalt  }
0x55: {  	_ =	shalt  }
0x56: {  	_ =	shalt  }
0x57: {  	_ =	shalt  }
0x58: {  	_ =	shalt  }
0x59: {  	_ =	shalt  }
0x5a: {  	_ =	shalt  }
0x5b: {  	_ =	shalt  }
0x5c: {  	_ =	shalt  }
0x5d: {  	_ =	shalt  }
0x5e: {  	_ =	shalt  }
0x5f: {  	_ =	shalt  }
0x60: {  	_ =	shalt  }
0x61: {  	_ =	shalt  }
0x62: {  	_ =	shalt  }
0x63: {  	_ =	shalt  }
0x64: {  	_ =	shalt  }
0x65: {  	_ =	shalt  }
0x66: {  	_ =	shalt  }
0x67: {  	_ =	shalt  }
0x68: {  	_ =	shalt  }
0x69: {  	_ =	shalt  }
0x6a: {  	_ =	shalt  }
0x6b: {  	_ =	shalt  }
0x6c: {  	_ =	shalt  }
0x6d: {  	_ =	shalt  }
0x6e: {  	_ =	shalt  }
0x6f: {  	_ =	shalt  }
0x70: {  	_ =	shalt  }
0x71: {  	_ =	shalt  }
0x72: {  	_ =	shalt  }
0x73: {  	_ =	shalt  }
0x74: {  	_ =	shalt  }
0x75: {  	_ =	shalt  }
0x76: {  	_ =	shalt  }
0x77: {  	_ =	shalt  }
0x78: {  	_ =	shalt  }
0x79: {  	_ =	shalt  }
0x7a: {  	_ =	shalt  }
0x7b: {  	_ =	shalt  }
0x7c: {  	_ =	shalt  }
0x7d: {  	_ =	shalt  }
0x7e: {  	_ =	shalt  }
0x7f: {  	_ =	shalt  }
0x80: {  	_ =	shalt  }
0x81: {  	_ =	shalt  }
0x82: {  	_ =	shalt  }
0x83: {  	_ =	shalt  }
0x84: {  	_ =	shalt  }
0x85: {  	_ =	shalt  }
0x86: {  	_ =	shalt  }
0x87: {  	_ =	shalt  }
.Lfunc_end0:
.L_simem_size_0:
called_computation.2_lowered:
.L_overlay_start_0:
0x88: {  	s2 =	sld [smem:$0x3FD9]  }
0x89: {  	s3 =	sld [smem:$0x3FFE];
	_ =	sdelay $0x1  }
0x8a: {  	s1 =	srdreg.scid  }
0x8b: {  	s0 =	sand.u32 $0x1, s1  }
0x8c: {  	s17 =	sshll.u32 s0, $0xA;
	s2 =	sadd.s32 s3, s2  }
0x8d: {  	s2 =	sadd.s32 s2, s17  }
0x8e: {  	[smem:$0x3FC6] =	sst s2  }
0x8f: {  	_ = 	snop  }
0x90: {  	s2 =	sld [smem:$0x3FD0];
	(tm) =	ssettm $0x1  }
0x91: {  	s18 =	sld [smem:$0x3FFB];
	_ =	sdelay $0x3  }
0x92: {  	_ =	strace s18  }
0x93: {  	s3 =	sld [smem:$0x3FFC];
	_ =	sdelay $0x3  }
0x94: {  	_ =	strace s3  }
0x95: {  	s3 =	sld [smem:$0x3FFD];
	_ =	sdelay $0x3  }
0x96: {  	_ =	strace s3  }
0x97: {  	_ =	strace $0x8FFFFFFF  }
0x98: {  	s19 =	sld [smem:$0x3FDB];
	_ =	sdelay $0x1  }
0x99: {  	s4 =	simm.s32 $_scs_section_size  }
0x9a: {  	s5 =	simm.s32 $_size__tile_overlayer_lowered;
	s6 =	simm.s32 $_tile_overlayer_lowered  }
0x9b: {  	s22 =	simm.s32 $0x1BFF;
	s21 =	sshll.u32 s6, $0x1;
	s3 =	sadd.s32 s4, s19  }
0x9c: {  	s7 =	simm.s32 $0x0;
	s20 =	sshll.u32 s5, $0x1;
	s5 =	sadd.s32 s21, s3  }
0x9d: {  	[timem:s7], [sflag:s22] =	dma.local [hbm:s5], s20  }
0x9e: {  	_ =	swait.ge [sflag:s22], s20  }
0x9f: {  	s4 =	ssub.s32 $0x0, s20;
	[sflag:s22] =	ssyncset.done $0x0  }
0xa0: {  	[sflag:s22] =	ssyncadd.s32 s4;
	_ =	sdelay $0x1  }
0xa1: {  	s23 =	simm.s32 $0x1B8B  }
0xa2: {  	_ =	swait.ge [sflag:s23], $0x1  }
0xa3: {  	[sflag:s23] =	ssyncset.done $0x0  }
0xa4: {  	s25 =	simm.s32 $0x1B8E;
	s24 =	sld [smem:$0x3FFE];
	[sflag:s23] =	ssyncadd.s32 $0xFFFFFFFF  }
0xa5: {  	s26 =	simm.s32 $execute0_lowered;
	[smem:$0x3FD2] =	sst s25  }
0xa6: {  	s5 =	sshll.u32 s26, $0x1;
	_ =	strace $0x80000049;
	[dreg:$0x1] =	wrdreg $0xFFFFFFFF  }
0xa7: {  	s28 =	simm.s32 $_size_execute0_lowered;
	s3 =	sadd.s32 s3, s5;
	[dreg:$0x0] =	wrdreg $0x0  }
0xa8: {  	s5 =	sshll.u32 s28, $0x1;
	[dreg:$0x2] =	wrdreg s3  }
0xa9: {  	[dreg:$0x3] =	wrdreg s5  }
0xaa: {  	[dreg:$0x4] =	wrdreg $0xC0  }
0xab: {  	_ =	task [dreg:s7], $0x5FFFF  }
0xac: {  	[dreg:$0x1] =	wrdreg $0xFFFFFFFF  }
0xad: {  	[dreg:$0x0] =	wrdreg $0x60  }
0xae: {  	[dreg:$0x2] =	wrdreg s2  }
0xaf: {  	[dreg:$0x3] =	wrdreg s24  }
0xb0: {  	[dreg:$0x4] =	wrdreg $0x9  }
0xb1: {  	_ =	task.clear_ibuf [dreg:s7], $0x5FFFF;
	_ =	strace $0x90000049  }
0xb2: {  	s29 =	simm.s32 $0x9;
	_ =	strace $0x8000004B  }
0xb3: {  	_ =	swait.ge [sflag:s29], $0x1  }
0xb4: {  	[sflag:s29] =	ssyncadd.s32 $0xFFFFFFFF  }
0xb5: {  	_ =	strace $0x9000004B  }
0xb6: {  	_ =	sfence  }
0xb7: {  	s30 =	sld [smem:$0x0];
	_ =	sdelay $0x2  }
0xb8: {  	s31 =	sshll.u32 s1, $0xD;
	s1 =	sshrl.u32 s1, $0x2  }
0xb9: {  	s3 =	sand.u32 $0x4000, s31;
	s1 =	sadd.s32 s1, s30  }
0xba: {  	s0 =	sor.u32 s3, s0;
	s1 =	sshll.u32 s1, $0x11  }
0xbb: {  	s0 =	sor.u32 s1, s0  }
0xbc: {  	s0 =	sadd.s32 $0x8F2B, s0  }
0xbd: {  	[sflag:s0] =	ssyncadd.remote.s32 $0x1  }
0xbe: {  	_ =	sfence.sel $0xFFFF  }
0xbf: {  	[dreg:$0x0] =	wrdreg $0xFFFFFFFF;
	(pc) =	sbr.abs _section_cstart, $3  }
0xc0: {  	[dreg:$0x1] =	wrdreg $0xFFFFFFFF  }
0xc1: {  	_ =	task.clear_ibuf [dreg:s7], $0x2FFFF;
	_ =	strace $0x9FFFFFFF  }
0xc2: {  	(tm) =	ssettm $0x7FFFFFFF  }
0xc3: {  	_ =	shalt  }
tec
execute0_lowered:
.L_overlay_start_1:
0x0: {  	(tag) =	ssettag $0x1  }
0x1: {  	s1 =	rddreg [dreg:$0x0]  }
0x2: {  	s5 =	rddreg [dreg:$0x1]  }
0x3: {  	s0 =	rddreg [dreg:$0x2];
	s2 =	simm.s32 $0x0;
	s3 =	srdreg.scid  }
0x4: {  	s10 =	simm.s32 $0x400;
	s11 =	simm.s32 $0x0;
	[smem:$0x7FF] =	sst s2  }
.Ltmp0:
0x5: {  	s6 =	sand.u32 $0x1, s3;
	s3 =	stileid.u32;
	(pc) =	sbr.rel .LBB2_1-.Ltmp0, $4  }
0x6: {  	s4 =	sadd.s32 $0x360600, s5;
	s5 =	sadd.s32 $0x510600, s5;
	s7 =	ssub.s32 $0x2, s6  }
0x7: {  	_ =	strace $0x8000004A;
	s9 =	sshll.u32 s3, $0x1;
	s8 =	sshrl.u32 s7, $0x1  }
0x8: {  	s6 =	sor.u32 s6, s9;
	s9 =	simm.s32 $0x80;
	s7 =	ssub.s32 s7, s8  }
0x9: {  	v0 =	vimm.f32 $0.0e+00;
	s6 =	smul.u32 $0x18, s6;
	s8 =	simm.s32 $0x1;
	s7 =	smax.u32 s7, $0x1  }
.LBB2_14:
0xa: {  	s11 =	sadd.s32 $0x1, s11  }
0xb: {  	p0 =	sne.s32 s11, s7  }
.Ltmp1:
0xc: {  	_ = 	snop;
	(pc) =	sbr.rel @!p0 .LBB2_15-.Ltmp1, $1  }
0xd: {  	_ =	sdelay $0x3  }
.LBB2_1:
.Ltmp2:
0xe: {  	(pc) =	sbr.rel .LBB2_2-.Ltmp2, $2  }
0xf: {  	_ =	sdelay $0x2  }
0x10: {  	s12 =	simm.s32 $0x0  }
.LBB2_13:
0x11: {  	s15 =	sshrl.u32 s13, $0x3  }
0x12: {  	s15 =	smul.u32 $0x120000, s15  }
0x13: {  	s14 =	sshll.u32 s14, $0x3;
	s31 =	sshll.u32 s13, $0x7  }
0x14: {  	s13 =	sand.u32 $0x380, s31;
	s14 =	sadd.s32 s14, s15  }
0x15: {  	s12 =	sadd.s32 $0x1, s12;
	s13 =	sor.u32 s13, s14  }
0x16: {  	p0 =	sne.s32 s12, $0x18;
	s13 =	sshrl.u32 s13, $0x3  }
.Ltmp3:
0x17: {  	s13 =	sadd.s32 s5, s13;
	(pc) =	sbr.rel @!p0 .LBB2_14-.Ltmp3, $4  }
0x18: {  	[hbm4b:s13+s9] =	stream.strided.scatter [tilespmem:s2], [sflag:$0x1], $0x12000, s10, s9, $0x38;
	[tilespmem:$0x16880] =	vst v63  }
0x19: {  	_ =	swait.ge [sflag:s8], $0x12000  }
0x1a: {  	[sflag:s8] =	ssyncset.done $0x0  }
0x1b: {  	[sflag:s8] =	ssyncadd.s32 $0xFFFEE000  }
.LBB2_2:
0x1c: {  	s13 =	simm.s32 $0x40;
	s14 =	simm.s32 $0x0  }
.LBB2_3:
0x1d: {  	p0 =	seq.s32 s13, $0x47FC0;
	[tilespmem:s14+$0x0] =	vst v0;
	s14 =	smov.u32 s13;
	s13 =	sadd.s32 $0x40, s13  }
.Ltmp4:
0x1e: {  	(pc) =	sbr.rel @!p0 .LBB2_3-.Ltmp4, $2  }
0x1f: {  	_ =	sdelay $0x2  }
0x20: {  	s14 =	sshra.s32 s14, $0x2  }
0x21: {  	s13 =	sadd.s32 s6, s12;
	s31 =	sand.u32 $0x1, s12  }
0x22: {  	p0 =	seq.s32 s13, $0x0;
	p1 =	seq.s32 s31, $0x1  }
0x23: {  	p0 =	por !p0, !p1  }
0x24: {  	[tilespmem:s14+$0x0] =	vst v0;
	s14 =	simm.s32 $0x1;
	p0 =	por !p0, !p0  }
0x25: {  	s13 =	sshrl.u32 s13, $0x1;
	s14 =	simm.s32 @!p0 $0x0  }
.Ltmp5:
0x26: {  	s13 =	ssub.s32 s13, s14;
	(pc) =	sbr.rel .LBB2_5-.Ltmp5, $4  }
0x27: {  	s14 =	simm.s32 $0x12000;
	s15 =	smul.u32 $0x24000, s13  }
0x28: {  	s14 =	simm.s32 @!p1 $0x0  }
0x29: {  	s15 =	sadd.s32 s14, s15  }
0x2a: {  	s18 =	simm.s32 $0x0;
	s16 =	smul.u32 $0x9000, s13;
	s17 =	sadd.s32 $0x12000, s15;
	v1 =	vmov s15  }
.LBB2_12:
0x2b: {  	s18 =	sadd.s32 $0x1, s18  }
0x2c: {  	p0 =	sne.s32 s18, $0x4  }
.Ltmp6:
0x2d: {  	_ = 	snop;
	(pc) =	sbr.rel @!p0 .LBB2_13-.Ltmp6, $1  }
0x2e: {  	_ =	sdelay $0x3  }
.LBB2_5:
0x2f: {  	s19 =	smul.u32 $0x2400, s18;
	_ =	sdelay $0x1  }
0x30: {  	s19 =	sadd.s32 s16, s19  }
0x31: {  	p0 =	slt.s32 s19, $0xD7DC00;
	s19 =	sshrl.u32 s19, $0x3  }
0x32: {  	s20 =	sadd.s32 s1, s19;
	s21 =	simm.s32 @p0 $0x0;
	s22 =	simm.s32 @p0 $0x12000  }
0x33: {  	[tilespmem:s22], [sflag:$0x1] =	stream.linear.gather @p0 [hbm4b:s20+s21], $0x2410, $0x38;
	[tilespmem:$0x16880] =	vst v63  }
0x34: {  	s21 =	simm.s32 @p0 $0x1  }
0x35: {  	_ =	swait.ge @p0 [sflag:s21], $0x2410  }
0x36: {  	[sflag:s21] =	ssyncset.done @p0 $0x0  }
0x37: {  	s22 =	simm.s32 @!p0 $0x12000;
	[sflag:s21] =	ssyncadd.s32 @p0 $0xFFFFDBF0;
	s21 =	simm.s32 @!p0 $0x0  }
0x38: {  	[tilespmem:s22], [sflag:$0x1] =	stream.linear.gather @!p0 [hbm4b:s20+s21], $0x2400, $0x38;
	[tilespmem:$0x16880] =	vst v63  }
0x39: {  	s20 =	simm.s32 @!p0 $0x1  }
0x3a: {  	_ =	swait.ge @!p0 [sflag:s20], $0x2400  }
0x3b: {  	[sflag:s20] =	ssyncset.done @!p0 $0x0  }
0x3c: {  	[sflag:s20] =	ssyncadd.s32 @!p0 $0xFFFFDC00  }
0x3d: {  	v2 =	vld [tilespmem:$0x12000]  }
0x3e: {  	v3 =	vld [tilespmem:$0x143F0];
	_ =	sdelay $0x3  }
0x3f: {  	v2 =	vxor.u32 $0x80000000, v2  }
0x40: {  	(xrf0) =	vmin.scan.msk.u32 $0xffff, v2;
	v2 =	vxor.u32 $0x80000000, v3  }
0x41: {  	(xrf0) =	vmax.scan.msk.u32 $0xffff, v2;
	_ =	sdelay $0x4  }
0x42: {  	v2, _, _ =	vpop (xrf0)  }
0x43: {  	(v2sf) =	vpush v2, $0xF;
	v2, _, _ =	vpop (xrf0)  }
0x44: {  	(v2sf) =	vpush v2, $0xF;
	_ =	sdelay $0xd  }
0x45: {  	s30 =	spop (v2sf)  }
0x46: {  	s20 =	sxor.u32 $0x80000000, s30;
	s31 =	spop (v2sf)  }
0x47: {  	s21 =	sxor.u32 $0x80000000, s31;
	p1 =	sge.s32 s20, s17  }
0x48: {  	p2 =	slt.s32 @!p1 s21, s15  }
0x49: {  	p1 =	por p1, p2  }
.Ltmp7:
0x4a: {  	_ = 	snop;
	(pc) =	sbr.rel @p1 .LBB2_12-.Ltmp7, $3  }
0x4b: {  	_ =	sdelay $0x1  }
0x4c: {  	v2 =	vimm.s32 @!p0 $0xFFFFFFFF  }
0x4d: {  	[tilespmem:$0x14400] =	vst @!p0 v2  }
0x4e: {  	s21 =	sadd.s32 s4, s19  }
.Ltmp8:
0x4f: {  	s19 =	simm.s32 $0x0;
	s20 =	simm.s32 $0x14480;
	(pc) =	sbr.rel .LBB2_7-.Ltmp8, $4  }
0x50: {  	[tilespmem:s20], [sflag:$0x1] =	stream.linear.gather [hbm4b:s21+s19], $0x2400, $0x38;
	[tilespmem:$0x16880] =	vst v63  }
0x51: {  	_ =	swait.ge [sflag:s8], $0x2400  }
0x52: {  	[sflag:s8] =	ssyncset.done $0x0  }
0x53: {  	s22 =	simm.s32 $0x0;
	s21 =	simm.s32 $0x12000;
	[sflag:s8] =	ssyncadd.s32 $0xFFFFDC00  }
.LBB2_11:
0x54: {  	s22 =	sadd.s32 $0x1, s22  }
0x55: {  	p0 =	sne.s32 s22, $0x10  }
.Ltmp9:
0x56: {  	_ = 	snop;
	(pc) =	sbr.rel @!p0 .LBB2_12-.Ltmp9, $2  }
0x57: {  	_ =	sdelay $0x2  }
0x58: {  	s21 =	sadd.s32 $0x240, s21;
	s20 =	sadd.s32 $0x240, s20  }
.LBB2_7:
0x59: {  	s23 =	smul.u32 $0x900, s22;
	_ =	sdelay $0x1  }
0x5a: {  	s24 =	sshra.s32 s23, $0x2;
	s23 =	sadd.s32 $0x900, s23  }
0x5b: {  	v2 =	vld [tilespmem:s24+$0x12000];
	s23 =	sshra.s32 s23, $0x2  }
0x5c: {  	v3 =	vld [tilespmem:s23+$0x11FF0];
	_ =	sdelay $0x3  }
0x5d: {  	v2 =	vxor.u32 $0x80000000, v2  }
0x5e: {  	(xrf0) =	vmin.scan.msk.u32 $0xffff, v2;
	v2 =	vxor.u32 $0x80000000, v3  }
0x5f: {  	(xrf0) =	vmax.scan.msk.u32 $0xffff, v2;
	_ =	sdelay $0x4  }
0x60: {  	v2, _, _ =	vpop (xrf0)  }
0x61: {  	(v2sf) =	vpush v2, $0xF;
	v2, _, _ =	vpop (xrf0)  }
0x62: {  	(v2sf) =	vpush v2, $0xF;
	_ =	sdelay $0xd  }
0x63: {  	s30 =	spop (v2sf)  }
0x64: {  	s23 =	sxor.u32 $0x80000000, s30;
	s31 =	spop (v2sf)  }
0x65: {  	s24 =	sxor.u32 $0x80000000, s31;
	p0 =	sge.s32 s23, s17  }
0x66: {  	p1 =	slt.s32 @!p0 s24, s15  }
0x67: {  	p0 =	por p0, p1  }
.Ltmp10:
0x68: {  	_ = 	snop;
	(pc) =	sbr.rel @p0 .LBB2_11-.Ltmp10, $1  }
0x69: {  	_ =	sdelay $0x3  }
0x6a: {  	s23 =	sshra.s32 s19, $0x2  }
0x6b: {  	s24 =	sadd.s32 s23, s21  }
0x6c: {  	v2 =	vld [tilespmem:s24+$0x0]  }
0x6d: {  	v3 =	vld [tilespmem:s24+$0x1];
	_ =	sdelay $0x3  }
0x6e: {  	v4 =	vsub.s32 v2, v1  }
0x6f: {  	vm1 =	vne.s32 v2, v3;
	vm0 =	vlt.u32 v4, $0x12000  }
0x70: {  	s23 =	sadd.s32 s23, s20;
	vm0 =	vmand vm0, vm1  }
0x71: {  	v2 =	vld [tilespmem:s23+$0x0];
	v3 =	vnsel vm0, $0x0, v4;
	_ =	sdelay $0x2  }
0x72: {  	s31 =	sadd.s32 $0x40, s19  }
0x73: {  	s24 =	sadd.s32 $0x40, s31;
	s23 =	sshra.s32 s31, $0x2  }
.LBB2_9:
0x74: {  	p0 =	sne.s32 s24, $0x8C0;
	s25 =	sadd.s32 s23, s21;
	[tilespmem:v3+s2+$0x0] =	vst.idx.msk vm0, v2  }
0x75: {  	v2 =	vld [tilespmem:s25+$0x0]  }
0x76: {  	v3 =	vld [tilespmem:s25+$0x1];
	_ =	sdelay $0x3  }
0x77: {  	v4 =	vsub.s32 v2, v1  }
0x78: {  	vm0 =	vlt.u32 v4, $0x12000;
	vm1 =	vne.s32 v2, v3  }
0x79: {  	s23 =	sadd.s32 s23, s20;
	vm0 =	vmand vm0, vm1  }
.Ltmp11:
0x7a: {  	v2 =	vld [tilespmem:s23+$0x0];
	v3 =	vnsel vm0, $0x0, v4;
	(pc) =	sbr.rel @p0 .LBB2_9-.Ltmp11, $2  }
0x7b: {  	_ =	sdelay $0x2  }
0x7c: {  	s23 =	sshra.s32 s24, $0x2;
	s24 =	sadd.s32 $0x40, s24  }
0x7d: {  	_ =	sdelay $0x4  }
0x7e: {  	s24 =	sadd.s32 s23, s21;
	[tilespmem:v3+s2+$0x0] =	vst.idx.msk vm0, v2  }
0x7f: {  	v2 =	vld [tilespmem:s24+$0x0]  }
0x80: {  	v3 =	vld [tilespmem:s24+$0x1];
	_ =	sdelay $0x3  }
0x81: {  	v4 =	vsub.s32 v2, v1  }
0x82: {  	vm1 =	vne.s32 v2, v3;
	vm15 =	vlt.u32 v4, $0x12000  }
0x83: {  	s31 =	sadd.s32 s23, s20;
	vm0 =	vmand vm15, vm1  }
0x84: {  	v2 =	vld [tilespmem:s31+$0x0];
	v3 =	vnsel vm0, $0x0, v4  }
.Ltmp12:
0x85: {  	_ = 	snop;
	(pc) =	sbr.rel .LBB2_11-.Ltmp12, $2  }
0x86: {  	_ =	sdelay $0x2  }
0x87: {  	[tilespmem:v3+s2+$0x0] =	vst.idx.msk vm0, v2  }
.LBB2_15:
0x88: {  	_ =	sfence.sel $0x180000  }
0x89: {  	[bflag:$0x0] =	sbarrier.arrive $0xFFFF  }
0x8a: {  	p0 =	sne.s32 s3, $0x0;
	_ =	strace $0x9000004A  }
0x8b: {  	s0 =	sadd.s32 @!p0 $0x100000, s0;
	[bflag:$0x2] =	sbarrier.arrive $0xFFFF  }
0x8c: {  	[sflag:s0] =	ssyncadd.tile.s32 @!p0 $0x1;
	_ =	shalt  }
.Lfunc_end2:
_tile_overlayer_lowered:
.L_overlay_start_2:
0x8d: {  	(tag) =	ssettag $0x2  }
0x8e: {  	s0 =	rddreg [dreg:$0x0];
	s2 =	stileid.u32  }
0x8f: {  	s1 =	rddreg [dreg:$0x1];
	p0 =	sne.s32 s2, $0x0  }
0x90: {  	s3 =	rddreg [dreg:$0x2];
	[bflag:$0x3] =	sbarrier.arrive $0xFFFF;
	s2 =	simm.s32 @!p0 $0x1C01  }
0x91: {  	[timem:s3], [sflag:s2] =	dma.local @!p0 [hbm:s0], s1  }
0x92: {  	s0 =	simm.s32 @!p0 $0x1  }
0x93: {  	_ =	swait.ge @!p0 [sflag:s0], s1  }
0x94: {  	s1 =	ssub.s32 @!p0 $0x0, s1;
	[sflag:s0] =	ssyncset.done @!p0 $0x0  }
0x95: {  	[sflag:s0] =	ssyncadd.s32 @!p0 s1  }
0x96: {  	[bflag:$0x3] =	sbarrier.arrive $0xFFFF  }
0x97: {  	_ =	shalt  }

// kernel: sparse-core-data-format-call.1.cloned.1.call-start
scs
called_computation.1_lowered:
.L_overlay_start_0:
0x0: {  	s1 =	sld [smem:$0x3FD9]  }
0x1: {  	s2 =	sld [smem:$0x3FFE];
	_ =	sdelay $0x1  }
0x2: {  	s3 =	srdreg.scid  }
0x3: {  	s0 =	sand.u32 $0x1, s3  }
0x4: {  	s17 =	sshll.u32 s0, $0xA;
	s1 =	sadd.s32 s2, s1  }
0x5: {  	s1 =	sadd.s32 s1, s17  }
0x6: {  	[smem:$0x3FC6] =	sst s1  }
0x7: {  	_ = 	snop  }
0x8: {  	(tm) =	ssettm $0x1  }
0x9: {  	s18 =	sld [smem:$0x3FFB];
	_ =	sdelay $0x3  }
0xa: {  	_ =	strace s18  }
0xb: {  	s1 =	sld [smem:$0x3FFC];
	_ =	sdelay $0x3  }
0xc: {  	_ =	strace s1  }
0xd: {  	s1 =	sld [smem:$0x3FFD];
	_ =	sdelay $0x3  }
0xe: {  	_ =	strace s1  }
0xf: {  	_ =	strace $0x8FFFFFFF  }
0x10: {  	s19 =	sld [smem:$0x3FDB];
	_ =	sdelay $0x1  }
0x11: {  	s20 =	simm.s32 $_scs_section_size  }
0x12: {  	s4 =	simm.s32 $_size__tile_overlayer_lowered;
	s5 =	simm.s32 $_tile_overlayer_lowered  }
0x13: {  	s23 =	simm.s32 $0x1BFF;
	s22 =	sshll.u32 s5, $0x1;
	s1 =	sadd.s32 s20, s19  }
0x14: {  	s6 =	simm.s32 $0x0;
	s21 =	sshll.u32 s4, $0x1;
	s4 =	sadd.s32 s22, s1  }
0x15: {  	[timem:s6], [sflag:s23] =	dma.local [hbm:s4], s21  }
0x16: {  	_ =	swait.ge [sflag:s23], s21  }
0x17: {  	s2 =	ssub.s32 $0x0, s21;
	[sflag:s23] =	ssyncset.done $0x0  }
0x18: {  	[sflag:s23] =	ssyncadd.s32 s2;
	_ =	sdelay $0x1  }
0x19: {  	s24 =	simm.s32 $0x1B8B  }
0x1a: {  	_ =	swait.ge [sflag:s24], $0x1  }
0x1b: {  	[sflag:s24] =	ssyncset.done $0x0  }
0x1c: {  	s26 =	simm.s32 $0x1B8E;
	s25 =	sld [smem:$0x3FFE];
	[sflag:s24] =	ssyncadd.s32 $0xFFFFFFFF  }
0x1d: {  	s27 =	simm.s32 $execute0_lowered;
	[smem:$0x3FD2] =	sst s26  }
0x1e: {  	s4 =	sshll.u32 s27, $0x1;
	_ =	strace $0x80000046;
	[dreg:$0x1] =	wrdreg $0xFFFFFFFF  }
0x1f: {  	s28 =	simm.s32 $_size_execute0_lowered;
	s1 =	sadd.s32 s1, s4;
	[dreg:$0x0] =	wrdreg $0x0  }
0x20: {  	s4 =	sshll.u32 s28, $0x1;
	[dreg:$0x2] =	wrdreg s1  }
0x21: {  	[dreg:$0x3] =	wrdreg s4  }
0x22: {  	[dreg:$0x4] =	wrdreg $0xC0  }
0x23: {  	_ =	task [dreg:s6], $0x5FFFF  }
0x24: {  	[dreg:$0x1] =	wrdreg $0xFFFFFFFF  }
0x25: {  	[dreg:$0x0] =	wrdreg $0x60  }
0x26: {  	[dreg:$0x2] =	wrdreg s25  }
0x27: {  	[dreg:$0x3] =	wrdreg $0x9  }
0x28: {  	_ =	task.clear_ibuf [dreg:s6], $0x4FFFF;
	_ =	strace $0x90000046  }
0x29: {  	s29 =	simm.s32 $0x9;
	_ =	strace $0x80000048  }
0x2a: {  	_ =	swait.ge [sflag:s29], $0x1  }
0x2b: {  	[sflag:s29] =	ssyncadd.s32 $0xFFFFFFFF  }
0x2c: {  	_ =	strace $0x90000048  }
0x2d: {  	_ =	sfence  }
0x2e: {  	s30 =	sld [smem:$0x0];
	_ =	sdelay $0x2  }
0x2f: {  	s31 =	sshll.u32 s3, $0xD;
	s3 =	sshrl.u32 s3, $0x2  }
0x30: {  	s2 =	sand.u32 $0x4000, s31;
	s1 =	sadd.s32 s3, s30  }
0x31: {  	s0 =	sor.u32 s2, s0;
	s1 =	sshll.u32 s1, $0x11  }
0x32: {  	s0 =	sor.u32 s1, s0  }
0x33: {  	s0 =	sadd.s32 $0x8F2B, s0  }
0x34: {  	[sflag:s0] =	ssyncadd.remote.s32 $0x1  }
0x35: {  	_ =	sfence.sel $0xFFFF  }
0x36: {  	[dreg:$0x0] =	wrdreg $0xFFFFFFFF;
	(pc) =	sbr.abs _section_cstart, $3  }
0x37: {  	[dreg:$0x1] =	wrdreg $0xFFFFFFFF  }
0x38: {  	_ =	task.clear_ibuf [dreg:s6], $0x2FFFF;
	_ =	strace $0x9FFFFFFF  }
0x39: {  	(tm) =	ssettm $0x7FFFFFFF  }
tec
execute0_lowered:
.L_overlay_start_1:
0x0: {  	(tag) =	ssettag $0x1  }
0x1: {  	s0 =	srdreg.scid;
	s6 =	rddreg [dreg:$0x0];
	s4 =	simm.s32 $0x1  }
0x2: {  	s7 =	simm.s32 $0x2;
	s14 =	simm.s32 $0x0;
	s1 =	sshll.u32 s0, $0x4  }
0x3: {  	s8 =	simm.s32 $0x800;
	s0 =	stileid.u32;
	s1 =	sand.u32 $0x10, s1  }
0x4: {  	s9 =	simm.s32 $0x9000;
	s10 =	simm.s32 $0x0;
	s2 =	sor.u32 s0, s1  }
.Ltmp0:
0x5: {  	s15 =	simm.s32 $0x0;
	s3 =	ssub.s32 $0x4F, s2;
	(pc) =	sbr.rel .LBB1_1-.Ltmp0, $4  }
0x6: {  	s11 =	simm.s32 $0x0;
	s13 =	simm.s32 $0x0;
	s5 =	sshrl.u32 s3, $0x5  }
0x7: {  	s1 =	rddreg [dreg:$0x1];
	_ =	strace $0x80000047;
	s5 =	smul.u32 $0x12, s5  }
0x8: {  	[sflag:s4] =	ssyncpa.u1 $0x0;
	s12 =	smov.u32 s2;
	s3 =	sadd.s32 $0x600, s6  }
0x9: {  	s6 =	sadd.s32 $0x1B0600, s6;
	[sflag:s7] =	ssyncpa.u1 $0x0;
	s7 =	sor.u32 $0x1, s5  }
.LBB1_7:
0xa: {  	s16 =	sadd.s32 $0x10, s11  }
0xb: {  	s14 =	sadd.s32 $0x20, s12;
	s18 =	smov.u32 s12;
	p1 =	sgt.s32 s16, $0x11F  }
0xc: {  	s18 =	smov.u32 @p1 s14  }
0xd: {  	s16 =	simm.s32 @p1 $0x0;
	p1 =	sgt.s32 s18, $0x2F  }
0xe: {  	s18 =	smov.u32 @p1 s2;
	p1 =	sne.s32 s13, s7  }
.Ltmp1:
0xf: {  	p0 =	slt.u32 s13, $0x2;
	(pc) =	sbr.rel @!p1 .LBB1_8-.Ltmp1, $4  }
0x10: {  	s17 =	simm.s32 @!p0 $0x2  }
0x11: {  	s15 =	smov.u32 s12;
	s10 =	sadd.s32 $0x4000, s10;
	_ =	swait.ge @!p0 [sflag:s17], $0x4000  }
0x12: {  	s14 =	smov.u32 s11;
	[sflag:s17] =	ssyncset.done @!p0 $0x0;
	s11 =	smov.u32 s16  }
0x13: {  	s13 =	sadd.s32 $0x1, s13;
	[sflag:s17] =	ssyncadd.s32 @!p0 $0xFFFFC000;
	s12 =	smov.u32 s18  }
.LBB1_1:
0x14: {  	p0 =	sge.u32 s13, s5  }
0x15: {  	s16 =	smul.u32 @!p0 $0x9000, s12  }
0x16: {  	s31 =	sadd.s32 $0xFFFFFFFF, s13;
	s17 =	sxor.u32 @!p0 $0xFFFFFFFF, s13  }
0x17: {  	s18 =	sshll.u32 @!p0 s11, $0x7;
	s17 =	sshll.u32 @!p0 s17, $0xE;
	s16 =	sadd.s32 @!p0 s3, s16  }
0x18: {  	s17 =	sand.u32 @!p0 $0x4000, s17;
	s16 =	sadd.s32 @!p0 s18, s16;
	s18 =	simm.s32 @!p0 $0x0  }
0x19: {  	[tilespmem:s17], [sflag:$0x1] =	stream.linear.gather @!p0 [hbm4b:s16+s18], $0x4000, $0x38;
	[tilespmem:$0x10000] =	vst v63  }
0x1a: {  	p0 =	sge.u32 s31, s5  }
.Ltmp2:
0x1b: {  	_ = 	snop;
	(pc) =	sbr.rel @p0 .LBB1_7-.Ltmp2, $1  }
0x1c: {  	_ =	sdelay $0x3  }
0x1d: {  	s16 =	sand.u32 $0x4000, s10  }
0x1e: {  	_ =	swait.ge [sflag:s4], $0x4000;
	s19 =	sshll.u32 s13, $0xE;
	s17 =	sor.u32 $0x8040, s16  }
0x1f: {  	s18 =	sor.u32 $0x40, s16;
	[sflag:s4] =	ssyncset.done $0x0;
	s31 =	sand.u32 $0x4000, s19  }
0x20: {  	s19 =	simm.s32 $0x0;
	[sflag:s4] =	ssyncadd.s32 $0xFFFFC000;
	s16 =	sor.u32 $0x8000, s31  }
.LBB1_3:
0x21: {  	v0 =	vmov s18;
	_ =	sdelay $0x3  }
0x22: {  	s21 =	simm.s32 $0x0  }
0x23: {  	v6 =	vld.idx.msk [tilespmem:v0+s21+$0x30 ss:$0x1], $0xffff  }
0x24: {  	v7 =	vld.idx.msk [tilespmem:v0+s21+$0xFFFFFFC0 ss:$0x1], $0xffff  }
0x25: {  	v5 =	vld.idx.msk [tilespmem:v0+s21+$0xFFFFFFD0 ss:$0x1], $0xffff  }
0x26: {  	v4 =	vld.idx.msk [tilespmem:v0+s21+$0xFFFFFFE0 ss:$0x1], $0xffff  }
0x27: {  	v3 =	vld.idx.msk [tilespmem:v0+s21+$0xFFFFFFF0 ss:$0x1], $0xffff  }
0x28: {  	v1 =	vld.idx.msk [tilespmem:v0+s21+$0x0 ss:$0x1], $0xffff  }
0x29: {  	v2 =	vld.idx.msk [tilespmem:v0+s21+$0x10 ss:$0x1], $0xffff;
	[tilespmem:s17+$0x30] =	vst v6  }
0x2a: {  	s20 =	simm.s32 $0x80;
	s22 =	simm.s32 $0x400;
	[tilespmem:s17+$0xFFFFFFC0] =	vst v7;
	v6 =	vld.idx.msk [tilespmem:v0+s21+$0x20 ss:$0x1], $0xffff;
	s21 =	smov.u32 s17  }
.LBB1_4:
0x2b: {  	p0 =	sne.s32 s22, $0xE00;
	v7 =	vld.idx.msk [tilespmem:v0+s20+$0x30 ss:$0x1], $0xffff;
	[tilespmem:s21+$0xFFFFFFD0] =	vst v5  }
0x2c: {  	v8 =	vld.idx.msk [tilespmem:v0+s20+$0xFFFFFFC0 ss:$0x1], $0xffff;
	[tilespmem:s21+$0xFFFFFFE0] =	vst v4  }
0x2d: {  	v5 =	vld.idx.msk [tilespmem:v0+s20+$0xFFFFFFD0 ss:$0x1], $0xffff;
	[tilespmem:s21+$0xFFFFFFF0] =	vst v3  }
.Ltmp3:
0x2e: {  	v4 =	vld.idx.msk [tilespmem:v0+s20+$0xFFFFFFE0 ss:$0x1], $0xffff;
	[tilespmem:s21+$0x0] =	vst v1;
	(pc) =	sbr.rel @p0 .LBB1_4-.Ltmp3, $4  }
0x2f: {  	v3 =	vld.idx.msk [tilespmem:v0+s20+$0xFFFFFFF0 ss:$0x1], $0xffff;
	[tilespmem:s21+$0x10] =	vst v2  }
0x30: {  	v1 =	vld.idx.msk [tilespmem:v0+s20+$0x0 ss:$0x1], $0xffff;
	[tilespmem:s21+$0x20] =	vst v6;
	s21 =	sadd.s32 $0x800, s21  }
0x31: {  	v2 =	vld.idx.msk [tilespmem:v0+s20+$0x10 ss:$0x1], $0xffff;
	[tilespmem:s21+$0x30] =	vst v7  }
0x32: {  	[tilespmem:s21+$0xFFFFFFC0] =	vst v8;
	v6 =	vld.idx.msk [tilespmem:v0+s20+$0x20 ss:$0x1], $0xffff;
	s20 =	sshra.s32 s22, $0x2;
	s22 =	sadd.s32 $0x200, s22  }
0x33: {  	_ =	sdelay $0x2  }
0x34: {  	[tilespmem:s21+$0xFFFFFFD0] =	vst v5  }
0x35: {  	v56 =	vld.idx.msk [tilespmem:v0+s20+$0x30 ss:$0x1], $0xffff;
	[tilespmem:s21+$0xFFFFFFE0] =	vst v4  }
0x36: {  	v57 =	vld.idx.msk [tilespmem:v0+s20+$0xFFFFFFC0 ss:$0x1], $0xffff;
	[tilespmem:s21+$0xFFFFFFF0] =	vst v3  }
0x37: {  	v58 =	vld.idx.msk [tilespmem:v0+s20+$0xFFFFFFD0 ss:$0x1], $0xffff;
	[tilespmem:s21+$0x0] =	vst v1  }
0x38: {  	v59 =	vld.idx.msk [tilespmem:v0+s20+$0xFFFFFFE0 ss:$0x1], $0xffff;
	[tilespmem:s21+$0x10] =	vst v2  }
0x39: {  	v60 =	vld.idx.msk [tilespmem:v0+s20+$0xFFFFFFF0 ss:$0x1], $0xffff;
	s31 =	sadd.s32 $0x800, s21;
	[tilespmem:s21+$0x20] =	vst v6  }
0x3a: {  	v61 =	vld.idx.msk [tilespmem:v0+s20+$0x0 ss:$0x1], $0xffff;
	[tilespmem:s31+$0x30] =	vst v56  }
0x3b: {  	v62 =	vld.idx.msk [tilespmem:v0+s20+$0x10 ss:$0x1], $0xffff;
	s19 =	sadd.s32 $0x1, s19;
	[tilespmem:s31+$0xFFFFFFC0] =	vst v57  }
0x3c: {  	v63 =	vld.idx.msk [tilespmem:v0+s20+$0x20 ss:$0x1], $0xffff;
	p0 =	sne.s32 s19, $0x10;
	[tilespmem:s31+$0xFFFFFFD0] =	vst v58  }
.Ltmp4:
0x3d: {  	[tilespmem:s31+$0xFFFFFFE0] =	vst v59;
	(pc) =	sbr.rel @p0 .LBB1_3-.Ltmp4, $4  }
0x3e: {  	[tilespmem:s31+$0xFFFFFFF0] =	vst v60  }
0x3f: {  	[tilespmem:s31+$0x0] =	vst v61  }
0x40: {  	[tilespmem:s31+$0x10] =	vst v62  }
0x41: {  	s17 =	sadd.s32 $0x80, s17;
	s18 =	sadd.s32 $0x400, s18;
	[tilespmem:s31+$0x20] =	vst v63  }
0x42: {  	s14 =	sand.u32 $0x1FFFFFF, s14  }
0x43: {  	s17 =	smulhi.u32 $0xE38E39, s14  }
0x44: {  	s15 =	smul.u32 $0x9000, s15  }
0x45: {  	s17 =	smul.u32 $0x120, s17  }
.Ltmp5:
0x46: {  	_ = 	snop;
	(pc) =	sbr.rel .LBB1_7-.Ltmp5, $4  }
0x47: {  	s14 =	ssub.s32 s14, s17  }
0x48: {  	s15 =	sadd.s32 s6, s15;
	s14 =	sshll.u32 s14, $0x4  }
0x49: {  	s14 =	sadd.s32 s14, s15  }
0x4a: {  	[hbm4b:s14+s8] =	stream.strided.scatter [tilespmem:s16], [sflag:$0x2], $0x4000, s9, s8, $0x38;
	[tilespmem:$0x10000] =	vst v63  }
.LBB1_8:
0x4b: {  	_ =	sfence.sel $0x180000  }
0x4c: {  	s2 =	simm.s32 $0x1;
	[bflag:$0x0] =	sbarrier.arrive $0xFFFF  }
0x4d: {  	s31 =	simm.s32 $0x2;
	[sflag:s2] =	ssyncpa.u1 $0x1  }
0x4e: {  	[sflag:s31] =	ssyncpa.u1 $0x1  }
0x4f: {  	p0 =	sne.s32 s0, $0x0;
	_ =	strace $0x90000047  }
0x50: {  	s0 =	sadd.s32 @!p0 $0x100000, s1;
	[bflag:$0x2] =	sbarrier.arrive $0xFFFF  }
0x51: {  	[sflag:s0] =	ssyncadd.tile.s32 @!p0 $0x1;
	_ =	shalt  }
.Lfunc_end1:
_tile_overlayer_lowered:
.L_overlay_start_2:
0x52: {  	(tag) =	ssettag $0x2  }
0x53: {  	s0 =	rddreg [dreg:$0x0];
	s2 =	stileid.u32  }
0x54: {  	s1 =	rddreg [dreg:$0x1];
	p0 =	sne.s32 s2, $0x0  }
0x55: {  	s3 =	rddreg [dreg:$0x2];
	[bflag:$0x3] =	sbarrier.arrive $0xFFFF;
	s2 =	simm.s32 @!p0 $0x1C01  }
0x56: {  	[timem:s3], [sflag:s2] =	dma.local @!p0 [hbm:s0], s1  }
0x57: {  	s0 =	simm.s32 @!p0 $0x1  }
0x58: {  	_ =	swait.ge @!p0 [sflag:s0], s1  }
0x59: {  	s1 =	ssub.s32 @!p0 $0x0, s1;
	[sflag:s0] =	ssyncset.done @!p0 $0x0  }
0x5a: {  	[sflag:s0] =	ssyncadd.s32 @!p0 s1  }
0x5b: {  	[bflag:$0x3] =	sbarrier.arrive $0xFFFF  }
0x5c: {  	_ =	shalt  }

// kernel: sparse-core-data-format-call.cloned.1.call-start
scs
called_computation_lowered:
.L_overlay_start_0:
0x0: {  	s2 =	sld [smem:$0x3FD9]  }
0x1: {  	s3 =	sld [smem:$0x3FFE];
	_ =	sdelay $0x1  }
0x2: {  	s1 =	srdreg.scid  }
0x3: {  	s0 =	sand.u32 $0x1, s1  }
0x4: {  	s18 =	sshll.u32 s0, $0xA;
	s2 =	sadd.s32 s3, s2  }
0x5: {  	s2 =	sadd.s32 s2, s18  }
0x6: {  	[smem:$0x3FC6] =	sst s2  }
0x7: {  	_ = 	snop  }
0x8: {  	s2 =	sld [smem:$0x3FD0];
	(tm) =	ssettm $0x1  }
0x9: {  	s19 =	sld [smem:$0x3FFB];
	_ =	sdelay $0x3  }
0xa: {  	_ =	strace s19  }
0xb: {  	s3 =	sld [smem:$0x3FFC];
	_ =	sdelay $0x3  }
0xc: {  	_ =	strace s3  }
0xd: {  	s3 =	sld [smem:$0x3FFD];
	_ =	sdelay $0x3  }
0xe: {  	_ =	strace s3  }
0xf: {  	_ =	strace $0x8FFFFFFF  }
0x10: {  	s20 =	sld [smem:$0x3FDB];
	_ =	sdelay $0x1  }
0x11: {  	s4 =	simm.s32 $_scs_section_size  }
0x12: {  	s5 =	simm.s32 $_size__tile_overlayer_lowered;
	s6 =	simm.s32 $_tile_overlayer_lowered  }
0x13: {  	s23 =	simm.s32 $0x1BFF;
	s22 =	sshll.u32 s6, $0x1;
	s3 =	sadd.s32 s4, s20  }
0x14: {  	s7 =	simm.s32 $0x0;
	s21 =	sshll.u32 s5, $0x1;
	s5 =	sadd.s32 s22, s3  }
0x15: {  	[timem:s7], [sflag:s23] =	dma.local [hbm:s5], s21  }
0x16: {  	_ =	swait.ge [sflag:s23], s21  }
0x17: {  	s4 =	ssub.s32 $0x0, s21;
	[sflag:s23] =	ssyncset.done $0x0  }
0x18: {  	[sflag:s23] =	ssyncadd.s32 s4;
	_ =	sdelay $0x1  }
0x19: {  	s24 =	simm.s32 $0x1B8B  }
0x1a: {  	_ =	swait.ge [sflag:s24], $0x1  }
0x1b: {  	[sflag:s24] =	ssyncset.done $0x0  }
0x1c: {  	s26 =	simm.s32 $0x1B8E;
	s25 =	sld [smem:$0x3FFE];
	[sflag:s24] =	ssyncadd.s32 $0xFFFFFFFF  }
0x1d: {  	s27 =	simm.s32 $execute0_lowered;
	[smem:$0x3FD2] =	sst s26  }
0x1e: {  	s5 =	sshll.u32 s27, $0x1;
	_ =	strace $0x8000004C;
	[dreg:$0x1] =	wrdreg $0xFFFFFFFF  }
0x1f: {  	s28 =	simm.s32 $_size_execute0_lowered;
	s3 =	sadd.s32 s3, s5;
	[dreg:$0x0] =	wrdreg $0x0  }
0x20: {  	s5 =	sshll.u32 s28, $0x1;
	[dreg:$0x2] =	wrdreg s3  }
0x21: {  	[dreg:$0x3] =	wrdreg s5  }
0x22: {  	[dreg:$0x4] =	wrdreg $0xC0  }
0x23: {  	_ =	task [dreg:s7], $0x5FFFF  }
0x24: {  	[dreg:$0x1] =	wrdreg $0xFFFFFFFF  }
0x25: {  	[dreg:$0x0] =	wrdreg $0x60  }
0x26: {  	[dreg:$0x2] =	wrdreg s25  }
0x27: {  	[dreg:$0x3] =	wrdreg s2  }
0x28: {  	[dreg:$0x4] =	wrdreg $0x9  }
0x29: {  	_ =	task.clear_ibuf [dreg:s7], $0x5FFFF;
	_ =	strace $0x9000004C  }
0x2a: {  	s29 =	simm.s32 $0x9;
	_ =	strace $0x8000004E  }
0x2b: {  	_ =	swait.ge [sflag:s29], $0x1  }
0x2c: {  	[sflag:s29] =	ssyncadd.s32 $0xFFFFFFFF  }
0x2d: {  	_ =	strace $0x9000004E  }
0x2e: {  	_ =	sfence  }
0x2f: {  	s30 =	sld [smem:$0x0];
	_ =	sdelay $0x2  }
0x30: {  	s31 =	sshll.u32 s1, $0xD;
	s1 =	sshrl.u32 s1, $0x2  }
0x31: {  	s3 =	sand.u32 $0x4000, s31;
	s1 =	sadd.s32 s1, s30  }
0x32: {  	s0 =	sor.u32 s3, s0;
	s1 =	sshll.u32 s1, $0x11  }
0x33: {  	s0 =	sor.u32 s1, s0  }
0x34: {  	s0 =	sadd.s32 $0x8F2B, s0  }
0x35: {  	[sflag:s0] =	ssyncadd.remote.s32 $0x1  }
0x36: {  	_ =	sfence.sel $0xFFFF  }
0x37: {  	[dreg:$0x0] =	wrdreg $0xFFFFFFFF;
	(pc) =	sbr.abs _section_cstart, $3  }
0x38: {  	[dreg:$0x1] =	wrdreg $0xFFFFFFFF  }
0x39: {  	_ =	task.clear_ibuf [dreg:s7], $0x2FFFF;
	_ =	strace $0x9FFFFFFF  }
0x3a: {  	(tm) =	ssettm $0x7FFFFFFF  }
0x3b: {  	_ =	shalt  }
tec
execute0_lowered:
.L_overlay_start_1:
0x0: {  	(tag) =	ssettag $0x1  }
0x1: {  	s1 =	rddreg [dreg:$0x0]  }
0x2: {  	s2 =	rddreg [dreg:$0x1]  }
0x3: {  	s0 =	rddreg [dreg:$0x2];
	s4 =	srdreg.scid  }
0x4: {  	_ =	strace $0x8000004D;
	s7 =	simm.s32 $0x2;
	s15 =	simm.s32 $0x0  }
0x5: {  	p0 =	por $0x0, $0x0;
	s13 =	simm.s32 $0x0;
	s16 =	simm.s32 $0x0  }
0x6: {  	s14 =	simm.s32 $0x0;
	s9 =	simm.s32 $0x0;
	s11 =	simm.s32 $0x0  }
.Ltmp0:
0x7: {  	s3 =	sadd.s32 $0x510600, s1;
	s4 =	sshll.u32 s4, $0x4;
	(pc) =	sbr.rel .LBB1_1-.Ltmp0, $4  }
0x8: {  	s1 =	stileid.u32;
	s5 =	sand.u32 $0x10, s4;
	s4 =	simm.s32 $0x1  }
0x9: {  	s8 =	simm.s32 $0x0;
	s6 =	sor.u32 s1, s5;
	[sflag:s4] =	ssyncpa.u1 $0x0  }
0xa: {  	s5 =	sand.u32 $0x3, s1;
	s6 =	sshrl.u32 s6, $0x2;
	[sflag:s7] =	ssyncpa.u1 $0x0  }
0xb: {  	s7 =	simm.s32 $0xC00;
	s12 =	smov.u32 s5;
	s10 =	smov.u32 s6  }
.LBB1_5:
0xc: {  	s17 =	sadd.s32 $0x80, s9  }
0xd: {  	s13 =	sadd.s32 $0x8, s10;
	s18 =	smov.u32 s10;
	p2 =	sgt.s32 s17, $0x17F  }
0xe: {  	s18 =	smov.u32 @p2 s13  }
0xf: {  	s19 =	smov.u32 s11;
	s13 =	sadd.s32 $0x80, s11;
	p3 =	sgt.s32 s18, $0x7  }
0x10: {  	s19 =	smov.u32 @p3 s13  }
0x11: {  	s20 =	smov.u32 s12;
	s13 =	sadd.s32 $0x4, s12;
	p4 =	sgt.s32 s19, $0x17F  }
0x12: {  	p1 =	slt.u32 s8, $0x2;
	s20 =	smov.u32 @p4 s13  }
0x13: {  	s8 =	sadd.s32 $0x1, s8;
	s17 =	simm.s32 @p2 $0x0;
	p2 =	sgt.s32 s20, $0x2F  }
0x14: {  	s15 =	smov.u32 s9;
	s20 =	smov.u32 @p2 s5;
	p2 =	sne.s32 s8, $0x6E  }
.Ltmp1:
0x15: {  	s16 =	smov.u32 s11;
	s21 =	simm.s32 @!p1 $0x2;
	(pc) =	sbr.rel @!p2 .LBB1_6-.Ltmp1, $4  }
0x16: {  	s14 =	smov.u32 s12;
	p0 =	por !p0, !p0;
	_ =	swait.ge @!p1 [sflag:s21], $0x4000  }
0x17: {  	[sflag:s21] =	ssyncset.done @!p1 $0x0;
	s9 =	smov.u32 s17;
	s18 =	smov.u32 @p3 s6  }
0x18: {  	[sflag:s21] =	ssyncadd.s32 @!p1 $0xFFFFC000;
	s19 =	simm.s32 @p4 $0x0;
	s13 =	smov.u32 s10  }
0x19: {  	s10 =	smov.u32 s18;
	s11 =	smov.u32 s19;
	s12 =	smov.u32 s20  }
.LBB1_1:
0x1a: {  	p1 =	sgt.u32 s8, $0x6B  }
0x1b: {  	s17 =	sshrl.u32 @!p1 s10, $0x3  }
0x1c: {  	s18 =	sshll.u32 @!p1 s9, $0x3;
	s17 =	smul.u32 @!p1 $0xC00, s17  }
0x1d: {  	s19 =	sshll.u32 @!p1 s10, $0x7;
	s18 =	sand.u32 @!p1 $0xFFFFFC00, s18  }
0x1e: {  	s17 =	sadd.s32 @!p1 s17, s18;
	s18 =	sand.u32 @!p1 $0x380, s19  }
0x1f: {  	s19 =	sand.u32 @!p1 $0x7F, s9;
	s17 =	sor.u32 @!p1 s18, s17  }
0x20: {  	s18 =	sor.u32 @!p1 s19, s17  }
0x21: {  	s19 =	smulhi.u32 @!p1 $0xAAAAAAAB, s18  }
0x22: {  	s17 =	smulhi.u32 @!p1 $0xAAAAAAAB, s17  }
0x23: {  	s21 =	smul.u32 @!p1 $0x24000, s12;
	s19 =	sshrl.u32 @!p1 s19, $0x8  }
0x24: {  	s20 =	sxor.u32 @!p1 $0xFFFFFFFF, s8;
	s17 =	sshrl.u32 @!p1 s17, $0x8;
	s19 =	smul.u32 @!p1 $0x180, s19  }
0x25: {  	s22 =	smul.u32 @!p1 $0x180, s11;
	s20 =	sshll.u32 @!p1 s20, $0xE;
	s17 =	sand.u32 @!p1 $0x7, s17  }
0x26: {  	s17 =	smul.u32 @!p1 $0x30, s17;
	s18 =	ssub.s32 @!p1 s18, s19;
	s19 =	sadd.s32 @!p1 s3, s21  }
0x27: {  	s20 =	sand.u32 @!p1 $0x4000, s20;
	s19 =	sadd.s32 @!p1 s22, s19;
	s21 =	sand.u32 @!p1 $0x7, s18  }
0x28: {  	s18 =	sshrl.u32 @!p1 s18, $0x3;
	s17 =	sadd.s32 @!p1 s17, s19;
	s19 =	sshll.u32 @!p1 s21, $0x12  }
0x29: {  	s17 =	sadd.s32 @!p1 s18, s17;
	s18 =	sor.u32 @!p1 $0x80, s19;
	s19 =	simm.s32 @!p1 $0xC00  }
0x2a: {  	[tilespmem:s20], [sflag:$0x1] =	stream.strided.gather @!p1 [hbm4b:s17+s18], $0x4000, s19, s18, $0x38;
	[tilespmem:$0x10000] =	vst v63  }
0x2b: {  	p1 =	seq.s32 s8, $0x0  }
0x2c: {  	p2 =	seq.s32 @!p1 s8, $0x6D  }
0x2d: {  	p1 =	por p1, p2  }
.Ltmp2:
0x2e: {  	_ = 	snop;
	(pc) =	sbr.rel @p1 .LBB1_5-.Ltmp2, $1  }
0x2f: {  	_ =	sdelay $0x3  }
0x30: {  	s17 =	simm.s32 $0x1  }
0x31: {  	s17 =	simm.s32 @!p0 $0x0  }
0x32: {  	s17 =	sshll.u32 s17, $0xE  }
0x33: {  	s18 =	sor.u32 $0x70, s17  }
0x34: {  	v1 =	vmov s18;
	_ =	sdelay $0x1  }
0x35: {  	_ =	swait.ge [sflag:s4], $0x4000  }
0x36: {  	[sflag:s4] =	ssyncset.done $0x0  }
0x37: {  	s19 =	simm.s32 $0x0;
	[sflag:s4] =	ssyncadd.s32 $0xFFFFC000  }
0x38: {  	s17 =	sor.u32 $0x8040, s17;
	v6 =	vld.idx.msk [tilespmem:v1+s19+$0x0 ss:$0x1], $0xffff  }
0x39: {  	v0 =	vmov s17;
	v8 =	vld.idx.msk [tilespmem:v1+s19+$0xFFFFFF90 ss:$0x1], $0xffff  }
0x3a: {  	v7 =	vld.idx.msk [tilespmem:v1+s19+$0xFFFFFFA0 ss:$0x1], $0xffff  }
0x3b: {  	v5 =	vld.idx.msk [tilespmem:v1+s19+$0xFFFFFFB0 ss:$0x1], $0xffff  }
0x3c: {  	v4 =	vld.idx.msk [tilespmem:v1+s19+$0xFFFFFFC0 ss:$0x1], $0xffff  }
0x3d: {  	s31 =	sshll.u32 s8, $0xE;
	v2 =	vld.idx.msk [tilespmem:v1+s19+$0xFFFFFFD0 ss:$0x1], $0xffff  }
0x3e: {  	s17 =	sand.u32 $0x4000, s31;
	v3 =	vld.idx.msk [tilespmem:v1+s19+$0xFFFFFFE0 ss:$0x1], $0xffff;
	[tilespmem:v0+s19+$0x30 ss:$0x1] =	vst.idx.msk $0xffff, v6  }
0x3f: {  	s20 =	simm.s32 $0x400;
	s18 =	simm.s32 $0x80;
	s17 =	sor.u32 $0x8000, s17;
	[tilespmem:v0+s19+$0xFFFFFFC0 ss:$0x1] =	vst.idx.msk $0xffff, v8;
	v6 =	vld.idx.msk [tilespmem:v1+s19+$0xFFFFFFF0 ss:$0x1], $0xffff  }
.LBB1_3:
0x40: {  	p1 =	sne.s32 s20, $0xFE00;
	v8 =	vld.idx.msk [tilespmem:v1+s18+$0x0 ss:$0x1], $0xffff;
	[tilespmem:v0+s19+$0xFFFFFFD0 ss:$0x1] =	vst.idx.msk $0xffff, v7  }
0x41: {  	v9 =	vld.idx.msk [tilespmem:v1+s18+$0xFFFFFF90 ss:$0x1], $0xffff;
	[tilespmem:v0+s19+$0xFFFFFFE0 ss:$0x1] =	vst.idx.msk $0xffff, v5  }
0x42: {  	v7 =	vld.idx.msk [tilespmem:v1+s18+$0xFFFFFFA0 ss:$0x1], $0xffff;
	[tilespmem:v0+s19+$0xFFFFFFF0 ss:$0x1] =	vst.idx.msk $0xffff, v4  }
.Ltmp3:
0x43: {  	v5 =	vld.idx.msk [tilespmem:v1+s18+$0xFFFFFFB0 ss:$0x1], $0xffff;
	[tilespmem:v0+s19+$0x0 ss:$0x1] =	vst.idx.msk $0xffff, v2;
	(pc) =	sbr.rel @p1 .LBB1_3-.Ltmp3, $4  }
0x44: {  	v4 =	vld.idx.msk [tilespmem:v1+s18+$0xFFFFFFC0 ss:$0x1], $0xffff;
	[tilespmem:v0+s19+$0x10 ss:$0x1] =	vst.idx.msk $0xffff, v3  }
0x45: {  	v2 =	vld.idx.msk [tilespmem:v1+s18+$0xFFFFFFD0 ss:$0x1], $0xffff;
	[tilespmem:v0+s19+$0x20 ss:$0x1] =	vst.idx.msk $0xffff, v6;
	s19 =	smov.u32 s18  }
0x46: {  	v3 =	vld.idx.msk [tilespmem:v1+s19+$0xFFFFFFE0 ss:$0x1], $0xffff;
	[tilespmem:v0+s19+$0x30 ss:$0x1] =	vst.idx.msk $0xffff, v8  }
0x47: {  	s18 =	sshra.s32 s20, $0x2;
	s20 =	sadd.s32 $0x200, s20;
	[tilespmem:v0+s19+$0xFFFFFFC0 ss:$0x1] =	vst.idx.msk $0xffff, v9;
	v6 =	vld.idx.msk [tilespmem:v1+s19+$0xFFFFFFF0 ss:$0x1], $0xffff  }
0x48: {  	s20 =	sshrl.u32 s16, $0x3  }
0x49: {  	s21 =	sshll.u32 s15, $0x3;
	s20 =	smul.u32 $0xC00, s20  }
0x4a: {  	s26 =	sshll.u32 s16, $0x7;
	s21 =	sand.u32 $0xFFFFFC00, s21  }
0x4b: {  	s16 =	sand.u32 $0x380, s26;
	s20 =	sadd.s32 s20, s21  }
0x4c: {  	[tilespmem:v0+s19+$0xFFFFFFD0 ss:$0x1] =	vst.idx.msk $0xffff, v7;
	s27 =	sand.u32 $0x7F, s15;
	s16 =	sor.u32 s16, s20  }
0x4d: {  	v56 =	vld.idx.msk [tilespmem:v1+s18+$0x0 ss:$0x1], $0xffff;
	[tilespmem:v0+s19+$0xFFFFFFE0 ss:$0x1] =	vst.idx.msk $0xffff, v5;
	s15 =	sor.u32 s27, s16;
	s16 =	smulhi.u32 $0xAAAAAAAB, s16  }
0x4e: {  	v57 =	vld.idx.msk [tilespmem:v1+s18+$0xFFFFFF90 ss:$0x1], $0xffff;
	[tilespmem:v0+s19+$0xFFFFFFF0 ss:$0x1] =	vst.idx.msk $0xffff, v4  }
0x4f: {  	v58 =	vld.idx.msk [tilespmem:v1+s18+$0xFFFFFFA0 ss:$0x1], $0xffff;
	s14 =	smul.u32 $0x24000, s14;
	[tilespmem:v0+s19+$0x0 ss:$0x1] =	vst.idx.msk $0xffff, v2;
	s16 =	sshrl.u32 s16, $0x8  }
0x50: {  	v59 =	vld.idx.msk [tilespmem:v1+s18+$0xFFFFFFB0 ss:$0x1], $0xffff;
	[tilespmem:v0+s19+$0x10 ss:$0x1] =	vst.idx.msk $0xffff, v3;
	s30 =	smulhi.u32 $0xAAAAAB, s16  }
0x51: {  	v60 =	vld.idx.msk [tilespmem:v1+s18+$0xFFFFFFC0 ss:$0x1], $0xffff;
	[tilespmem:v0+s19+$0x20 ss:$0x1] =	vst.idx.msk $0xffff, v6;
	s28 =	smulhi.u32 $0xAAAAAAAB, s15  }
0x52: {  	v61 =	vld.idx.msk [tilespmem:v1+s18+$0xFFFFFFD0 ss:$0x1], $0xffff;
	[tilespmem:v0+s18+$0x30 ss:$0x1] =	vst.idx.msk $0xffff, v56;
	s20 =	smul.u32 $0x180, s30  }
0x53: {  	v62 =	vld.idx.msk [tilespmem:v1+s18+$0xFFFFFFE0 ss:$0x1], $0xffff;
	s13 =	smul.u32 $0x4800, s13;
	[tilespmem:v0+s18+$0xFFFFFFC0 ss:$0x1] =	vst.idx.msk $0xffff, v57;
	s29 =	sshrl.u32 s28, $0x8  }
0x54: {  	v63 =	vld.idx.msk [tilespmem:v1+s18+$0xFFFFFFF0 ss:$0x1], $0xffff;
	[tilespmem:v0+s18+$0xFFFFFFD0 ss:$0x1] =	vst.idx.msk $0xffff, v58;
	s19 =	smul.u32 $0x180, s29;
	s16 =	ssub.s32 s16, s20  }
0x55: {  	[tilespmem:v0+s18+$0xFFFFFFE0 ss:$0x1] =	vst.idx.msk $0xffff, v59;
	s16 =	smul.u32 $0x30, s16  }
.Ltmp4:
0x56: {  	s14 =	sadd.s32 s2, s14;
	[tilespmem:v0+s18+$0xFFFFFFF0 ss:$0x1] =	vst.idx.msk $0xffff, v60;
	s15 =	ssub.s32 s15, s19;
	(pc) =	sbr.rel .LBB1_5-.Ltmp4, $4  }
0x57: {  	s13 =	sadd.s32 s13, s14;
	[tilespmem:v0+s18+$0x0 ss:$0x1] =	vst.idx.msk $0xffff, v61;
	s31 =	sand.u32 $0x7, s15  }
0x58: {  	[tilespmem:v0+s18+$0x10 ss:$0x1] =	vst.idx.msk $0xffff, v62;
	s15 =	sshrl.u32 s15, $0x3;
	s14 =	sshll.u32 s31, $0x12;
	s13 =	sadd.s32 s16, s13  }
0x59: {  	[tilespmem:v0+s18+$0x20 ss:$0x1] =	vst.idx.msk $0xffff, v63;
	s14 =	sor.u32 $0x400, s14;
	s13 =	sadd.s32 s15, s13  }
0x5a: {  	[hbm4b:s13+s14] =	stream.strided.scatter [tilespmem:s17], [sflag:$0x2], $0x4000, s7, s14, $0x38;
	[tilespmem:$0x10000] =	vst v63  }
.LBB1_6:
0x5b: {  	_ =	sfence.sel $0x180000  }
0x5c: {  	s2 =	simm.s32 $0x1;
	[bflag:$0x0] =	sbarrier.arrive $0xFFFF  }
0x5d: {  	s31 =	simm.s32 $0x2;
	[sflag:s2] =	ssyncpa.u1 $0x1  }
0x5e: {  	[sflag:s31] =	ssyncpa.u1 $0x1  }
0x5f: {  	p0 =	sne.s32 s1, $0x0;
	_ =	strace $0x9000004D  }
0x60: {  	s0 =	sadd.s32 @!p0 $0x100000, s0;
	[bflag:$0x2] =	sbarrier.arrive $0xFFFF  }
0x61: {  	[sflag:s0] =	ssyncadd.tile.s32 @!p0 $0x1;
	_ =	shalt  }
.Lfunc_end1:
_tile_overlayer_lowered:
.L_overlay_start_2:
0x62: {  	(tag) =	ssettag $0x2  }
0x63: {  	s0 =	rddreg [dreg:$0x0];
	s2 =	stileid.u32  }
0x64: {  	s1 =	rddreg [dreg:$0x1];
	p0 =	sne.s32 s2, $0x0  }
0x65: {  	s3 =	rddreg [dreg:$0x2];
	[bflag:$0x3] =	sbarrier.arrive $0xFFFF;
	s2 =	simm.s32 @!p0 $0x1C01  }
0x66: {  	[timem:s3], [sflag:s2] =	dma.local @!p0 [hbm:s0], s1  }
0x67: {  	s0 =	simm.s32 @!p0 $0x1  }
0x68: {  	_ =	swait.ge @!p0 [sflag:s0], s1  }
0x69: {  	s1 =	ssub.s32 @!p0 $0x0, s1;
	[sflag:s0] =	ssyncset.done @!p0 $0x0  }
0x6a: {  	[sflag:s0] =	ssyncadd.s32 @!p0 s1  }
0x6b: {  	[bflag:$0x3] =	sbarrier.arrive $0xFFFF  }
0x6c: {  	_ =	shalt  }

</sc_bundles>
